<compile_context>
chip_gen: v7x
topology: tpu7x:2x2x1
jax: 0.10.2.dev20260603
libtpu: 0.0.44.dev20260713+nightly
codegen_flags: <defaults>
</compile_context>

<pallas_src>
import functools
import jax
import jax.numpy as jnp
from jax.experimental import pallas as pl
from jax.experimental.pallas import tpu as pltpu

_PS = 3
_TOPK = 3
_H = 48
_HW = _H * _H
_PAD = 2432
_C = 256
_K9 = _C * _PS * _PS
_MT = 128
_NT = 768
_NMI = _HW // _MT
_NNI = _HW // _NT
_VALID = _H - _PS + 1
_NEG = -1.0e30
_INIT = -3.0e38


def _corr_topk_body(fi_ref, fr_ref, val_ref, idx_ref,
                    b9, a9t, inv_i, inv_r, nin_inv, rv, ri):
    mi = pl.program_id(1)
    ni = pl.program_id(2)

    @pl.when(jnp.logical_and(mi == 0, ni == 0))
    def _batch_init():
        for dx in range(_PS):
            fi = fi_ref[0, dx]
            n = jnp.sqrt(jnp.sum(fi * fi, axis=1, keepdims=True))
            inv_i[:, dx:dx + 1] = jnp.maximum(n, 1e-12)
            fr = fr_ref[0, dx]
            m = jnp.sqrt(jnp.sum(fr * fr, axis=1, keepdims=True))
            inv_r[:, dx:dx + 1] = jnp.maximum(m, 1e-12)
        for dy in range(_PS):
            for dx in range(_PS):
                tap = dy * _PS + dx
                b9[:, pl.ds(tap * _C, _C)] = (
                    fr_ref[0, dx, pl.ds(dy * _H, _HW), :]
                    / inv_r[pl.ds(dy * _H, _HW), dx:dx + 1])
        bn = b9[...]
        rn = jnp.sqrt(jnp.sum(bn * bn, axis=1, keepdims=True))
        b9[...] = bn / (rn + 1e-5)

    @pl.when(ni == 0)
    def _mtile_init():
        m0 = pl.multiple_of(mi * _MT, _MT)
        for dy in range(_PS):
            for dx in range(_PS):
                tap = dy * _PS + dx
                a9t[:, pl.ds(tap * _C, _C)] = (
                    fi_ref[0, dx, pl.ds(m0 + dy * _H, _MT), :]
                    / inv_i[pl.ds(m0 + dy * _H, _MT), dx:dx + 1])
        a = a9t[...]
        nin_inv[...] = jnp.sqrt(jnp.sum(a * a, axis=1, keepdims=True)) + 1e-5
        rv[...] = jnp.full((_MT, 8), _INIT, jnp.float32)
        ri[...] = jnp.zeros((_MT, 8), jnp.int32)

    c = jax.lax.dot_general(a9t[...], b9[pl.ds(ni * _NT, _NT), :],
                            (((1,), (1,)), ((), ())),
                            preferred_element_type=jnp.float32)
    p48 = ni * _NT + jax.lax.broadcasted_iota(jnp.int32, (_MT, _NT), 1)
    bad = jnp.logical_or(p48 % _H >= _VALID, p48 >= _VALID * _H)
    c = jnp.where(bad, _NEG, c)

    for _ in range(_TOPK):
        m = jnp.max(c, axis=1, keepdims=True)
        sel = jnp.min(jnp.where(c >= m, p48, jnp.int32(2 ** 30)),
                      axis=1, keepdims=True)
        c = jnp.where(p48 == sel, _NEG, c)
        r0, r1, r2 = rv[:, 0:1], rv[:, 1:2], rv[:, 2:3]
        i0, i1, i2 = ri[:, 0:1], ri[:, 1:2], ri[:, 2:3]
        b0 = m > r0
        b1 = m > r1
        b2 = m > r2
        rv[:, 2:3] = jnp.where(b1, r1, jnp.where(b2, m, r2))
        ri[:, 2:3] = jnp.where(b1, i1, jnp.where(b2, sel, i2))
        rv[:, 1:2] = jnp.where(b0, r0, jnp.where(b1, m, r1))
        ri[:, 1:2] = jnp.where(b0, i0, jnp.where(b1, sel, i1))
        rv[:, 0:1] = jnp.where(b0, m, r0)
        ri[:, 0:1] = jnp.where(b0, sel, i0)

    @pl.when(ni == _NNI - 1)
    def _emit():
        val_ref[0] = rv[...] / nin_inv[...]
        idx_ref[0] = ri[...]


def _corr_topk(fi_dx, fr_dx):
    B = fi_dx.shape[0]
    grid = (B, _NMI, _NNI)
    return pl.pallas_call(
        _corr_topk_body,
        grid=grid,
        in_specs=[
            pl.BlockSpec((1, _PS, _PAD, _C), lambda b, mi, ni: (b, 0, 0, 0)),
            pl.BlockSpec((1, _PS, _PAD, _C), lambda b, mi, ni: (b, 0, 0, 0)),
        ],
        out_specs=[
            pl.BlockSpec((1, _MT, 8), lambda b, mi, ni: (b, mi, 0)),
            pl.BlockSpec((1, _MT, 8), lambda b, mi, ni: (b, mi, 0)),
        ],
        out_shape=[
            jax.ShapeDtypeStruct((B, _HW, 8), jnp.float32),
            jax.ShapeDtypeStruct((B, _HW, 8), jnp.int32),
        ],
        compiler_params=pltpu.CompilerParams(
            vmem_limit_bytes=100 * 1024 * 1024,
        ),
        scratch_shapes=[
            pltpu.VMEM((_HW, _K9), jnp.float32),
            pltpu.VMEM((_MT, _K9), jnp.float32),
            pltpu.VMEM((_PAD, 8), jnp.float32),
            pltpu.VMEM((_PAD, 8), jnp.float32),
            pltpu.VMEM((_MT, 1), jnp.float32),
            pltpu.VMEM((_MT, 8), jnp.float32),
            pltpu.VMEM((_MT, 8), jnp.int32),
        ],
    )(fi_dx, fr_dx)


def _shift(x, i, j):
    if i == 0 and j == 0:
        return x
    nd = x.ndim
    pad = [(0, 0)] * nd
    pad[-3] = (i, 0)
    pad[-2] = (j, 0)
    h, w = x.shape[-3], x.shape[-2]
    return jnp.pad(x, pad)[..., :h, :w, :]


def _up2(x, axis_h, axis_w):
    return jnp.repeat(jnp.repeat(x, 2, axis=axis_h), 2, axis=axis_w)


def _vgg(img, p):
    mean = jnp.array([0.485, 0.456, 0.406], jnp.float32).reshape(1, 3, 1, 1)
    std = jnp.array([0.229, 0.224, 0.225], jnp.float32).reshape(1, 3, 1, 1)
    x = (img - mean) / std

    def conv(x, w, b):
        y = jax.lax.conv_general_dilated(x, w, (1, 1), 'SAME',
                                         dimension_numbers=('NCHW', 'OIHW', 'NCHW'))
        return y + b[None, :, None, None]

    def pool(x):
        return jax.lax.reduce_window(x, -jnp.inf, jax.lax.max,
                                     (1, 1, 2, 2), (1, 1, 2, 2), 'VALID')

    x = jax.nn.relu(conv(x, p['w11'], p['b11'])); r1 = x
    x = jax.nn.relu(conv(x, p['w12'], p['b12']))
    x = pool(x)
    x = jax.nn.relu(conv(x, p['w21'], p['b21'])); r2 = x
    x = jax.nn.relu(conv(x, p['w22'], p['b22']))
    x = pool(x)
    x = jax.nn.relu(conv(x, p['w31'], p['b31'])); r3 = x
    return r1, r2, r3


@jax.jit
def _run(dense_features1, dense_features2, img_ref_hr, vgg_params):
    B = dense_features1.shape[0]

    def prep(x):
        xt = jnp.transpose(x.reshape(B, _C, _HW), (0, 2, 1))
        xp = jnp.pad(xt, ((0, 0), (0, _PAD + 2 - _HW), (0, 0)))
        return jnp.stack([xp[:, dx:dx + _PAD, :] for dx in range(_PS)], axis=1)

    vals, idxs = _corr_topk(prep(dense_features1), prep(dense_features2))

    v = vals[:, :, :_TOPK].reshape(B, _H, _H, _TOPK)[:, :_VALID, :_VALID, :]
    v = jnp.transpose(v, (0, 3, 1, 2))
    ix = idxs[:, :, :_TOPK].reshape(B, _H, _H, _TOPK)[:, :_VALID, :_VALID, :]
    ix = jnp.transpose(ix, (0, 3, 1, 2))

    u = (ix % _H).astype(jnp.float32)
    vv = (ix // _H).astype(jnp.float32)
    gy = jnp.arange(_VALID, dtype=jnp.float32)[None, None, :, None]
    gx = jnp.arange(_VALID, dtype=jnp.float32)[None, None, None, :]
    flow = jnp.stack((u - gx, vv - gy), axis=-1)
    kf3 = jnp.pad(flow, ((0, 0), (0, 0), (0, 2), (0, 2), (0, 0)))
    ks3 = jnp.pad(v, ((0, 0), (0, 0), (1, 1), (1, 1)))

    ko3 = jnp.stack([_shift(kf3, i, j) for i in range(3) for j in range(3)], axis=2)
    kf2 = _up2(kf3, 2, 3) * 2.0
    ks2 = _up2(ks3, 2, 3)
    ko2 = jnp.stack([_shift(kf2, 2 * i, 2 * j) for i in range(3) for j in range(3)], axis=2)
    kf1 = _up2(_up2(kf3, 2, 3), 2, 3) * 4.0
    ks1 = _up2(_up2(ks3, 2, 3), 2, 3)
    ko1 = jnp.stack([_shift(kf1, 4 * i, 4 * j) for i in range(3) for j in range(3)], axis=2)

    r1, r2, r3 = _vgg(img_ref_hr, vgg_params)
    return (kf1, kf2, kf3, ko1, ko2, ko3, ks1, ks2, ks3, r1, r2, r3)


def kernel(dense_features1, dense_features2, img_ref_hr, vgg_params):
    return _run(dense_features1, dense_features2, img_ref_hr, vgg_params)

# --- scband reference (transcript-rebuilt; emitter-appended) ---
"""Pipeline reference for scband-correspondence-generation-arch-53609781788765 (READ-ONLY COPY).

The authoritative reference and input builder live on the scoring server;
editing this copy changes nothing except your own understanding.
"""

import jax, jax.numpy as jnp
import numpy as np

PATCH_SIZE = 3
STRIDE = 1
TOPK = 3

def _conv(x, w, b):
    y = jax.lax.conv_general_dilated(x, w, (1, 1), 'SAME', dimension_numbers=('NCHW', 'OIHW', 'NCHW'))
    return y + b[None, :, None, None]

def _maxpool2(x):
    return jax.lax.reduce_window(x, -jnp.inf, jax.lax.max, (1, 1, 2, 2), (1, 1, 2, 2), 'VALID')

def vgg_features(img, p):
    mean = jnp.array([0.485, 0.456, 0.406], jnp.float32).reshape(1, 3, 1, 1)
    std = jnp.array([0.229, 0.224, 0.225], jnp.float32).reshape(1, 3, 1, 1)
    x = (img - mean) / std
    x = jax.nn.relu(_conv(x, p['w11'], p['b11'])); r1 = x
    x = jax.nn.relu(_conv(x, p['w12'], p['b12']))
    x = _maxpool2(x)
    x = jax.nn.relu(_conv(x, p['w21'], p['b21'])); r2 = x
    x = jax.nn.relu(_conv(x, p['w22'], p['b22']))
    x = _maxpool2(x)
    x = jax.nn.relu(_conv(x, p['w31'], p['b31'])); r3 = x
    return r1, r2, r3

def extract_patches(feat, ps):
    C, H, W = feat.shape
    hh, ww = H - ps + 1, W - ps + 1
    iy = jnp.arange(hh)[:, None] + jnp.arange(ps)[None, :]
    ix = jnp.arange(ww)[:, None] + jnp.arange(ps)[None, :]
    p = feat[:, iy, :][:, :, :, ix]
    p = jnp.transpose(p, (1, 3, 0, 2, 4)).reshape(hh * ww, C, ps, ps)
    return p, hh, ww

def feature_match_topk(feat_in, feat_ref, topk, ps):
    pref, hh, ww = extract_patches(feat_ref, ps)
    nrm = jnp.sqrt(jnp.sum(pref ** 2, axis=(1, 2, 3), keepdims=True))
    filt = pref / (nrm + 1e-5)
    corr = jax.lax.conv_general_dilated(feat_in[None], filt, (1, 1), 'VALID', dimension_numbers=('NCHW', 'OIHW', 'NCHW'))[0]
    corr_t = jnp.transpose(corr, (1, 2, 0))
    top_val, top_idx = jax.lax.top_k(corr_t, topk)
    top_val = jnp.transpose(top_val, (2, 0, 1))
    top_idx = jnp.transpose(top_idx, (2, 0, 1))
    pin, _, _ = extract_patches(feat_in, ps)
    nin = jnp.sqrt(jnp.sum(pin ** 2, axis=(1, 2, 3))).reshape(hh, ww)
    top_val = top_val / (nin[None] + 1e-5)
    return top_idx, top_val

def index_to_flow(max_idx):
    h, w = max_idx.shape
    flow_w = (max_idx % w).astype(jnp.float32)
    flow_h = (max_idx // w).astype(jnp.float32)
    gy, gx = jnp.meshgrid(jnp.arange(h), jnp.arange(w), indexing='ij')
    grid = jnp.stack((gx, gy), 2)[None].astype(jnp.float32)
    flow = jnp.stack((flow_w, flow_h), axis=2)[None] - grid
    return jnp.pad(flow, ((0, 0), (0, 2), (0, 2), (0, 0)))

def tensor_shift(x, shift):
    sh, sw = shift
    b, h, w, c = x.shape
    new = jnp.zeros_like(x)
    return new.at[:, sh:, sw:, :].set(x[:, :h - sh, :w - sw, :])

def _normalize_cols(f):
    C, H, W = f.shape
    n = jnp.sqrt(jnp.sum(f.reshape(C, -1) ** 2, axis=0))
    n = jnp.maximum(n, 1e-12).reshape(1, H, W)
    return f / n

def _forward(df1, df2, img_ref_hr, params):
    B = img_ref_hr.shape[0]
    bf3 = []; bf2 = []; bf1 = []
    bo3 = []; bo2 = []; bo1 = []
    bs3 = []; bs2 = []; bs1 = []
    for ind in range(B):
        fi = _normalize_cols(df1[ind])
        fr = _normalize_cols(df2[ind])
        top_idx, top_val = feature_match_topk(fi, fr, TOPK, PATCH_SIZE)
        kf3 = []; ko3 = []; ks3 = []
        for k in range(TOPK):
            sim = jnp.pad(top_val[k], ((1, 1), (1, 1)))[None]
            flow = index_to_flow(top_idx[k])
            shifted = jnp.concatenate([tensor_shift(flow, (i, j)) for i in range(3) for j in range(3)], axis=0)
            kf3.append(flow); ko3.append(shifted); ks3.append(sim)
        kf3 = jnp.concatenate(kf3, axis=0)
        ko3 = jnp.stack(ko3, axis=0)
        ks3 = jnp.concatenate(ks3, axis=0)
        bf3.append(kf3); bo3.append(ko3); bs3.append(ks3)
        kf2 = jnp.repeat(jnp.repeat(kf3, 2, axis=1), 2, axis=2) * 2.0
        ks2 = jnp.repeat(jnp.repeat(ks3, 2, axis=1), 2, axis=2)
        ko2 = jnp.stack([tensor_shift(kf2, (i * 2, j * 2)) for i in range(3) for j in range(3)], axis=1)
        bf2.append(kf2); bo2.append(ko2); bs2.append(ks2)
        kf1 = jnp.repeat(jnp.repeat(kf3, 4, axis=1), 4, axis=2) * 4.0
        ks1 = jnp.repeat(jnp.repeat(ks3, 4, axis=1), 4, axis=2)
        ko1 = jnp.stack([tensor_shift(kf1, (i * 4, j * 4)) for i in range(3) for j in range(3)], axis=1)
        bf1.append(kf1); bo1.append(ko1); bs1.append(ks1)
    out = [jnp.stack(t, axis=0) for t in (bf1, bf2, bf3, bo1, bo2, bo3, bs1, bs2, bs3)]
    r1, r2, r3 = vgg_features(img_ref_hr, params)
    return tuple(out) + (r1, r2, r3)

def setup_inputs(seed: int = 0):
    key = jax.random.key(seed)
    ks = jax.random.split(key, 10)
    B, C, H, W = 4, 256, 48, 48
    df1 = jax.random.normal(ks[0], (B, C, H, W), jnp.float32)
    df2 = jax.random.normal(ks[1], (B, C, H, W), jnp.float32)
    img = jax.random.uniform(ks[2], (B, 3, 192, 192), dtype=jnp.float32)
    def cw(k, o, i):
        return jax.random.normal(k, (o, i, 3, 3), jnp.float32) * np.float32(1.0 / np.sqrt(i * 9.0))
    params = {'w11': cw(ks[3], 64, 3), 'b11': jnp.zeros(64, jnp.float32),
              'w12': cw(ks[4], 64, 64), 'b12': jnp.zeros(64, jnp.float32),
              'w21': cw(ks[5], 128, 64), 'b21': jnp.zeros(128, jnp.float32),
              'w22': cw(ks[6], 128, 128), 'b22': jnp.zeros(128, jnp.float32),
              'w31': cw(ks[7], 256, 128), 'b31': jnp.zeros(256, jnp.float32)}
    return {'dense_features1': df1, 'dense_features2': df2, 'img_ref_hr': img, 'vgg_params': params}

def reference(dense_features1, dense_features2, img_ref_hr, vgg_params):
    return _forward(dense_features1, dense_features2, img_ref_hr, vgg_params)

if __name__ == "__main__":
    import jax
    _d = setup_inputs()
    print(jax.jit(kernel)(*tuple(_d.values())))

</pallas_src>

<mosaic_0001>
module attributes {stable_mosaic.version = 14 : i64} {
  func.func @_corr_topk_body(%arg0: i32, %arg1: i32, %arg2: i32, %arg3: memref<1x3x2432x256xf32, #tpu.memory_space<vmem>>, %arg4: memref<1x3x2432x256xf32, #tpu.memory_space<vmem>>, %arg5: memref<1x128x8xf32, #tpu.memory_space<vmem>>, %arg6: memref<1x128x8xi32, #tpu.memory_space<vmem>>, %arg7: memref<2304x2304xf32, #tpu.memory_space<vmem>>, %arg8: memref<128x2304xf32, #tpu.memory_space<vmem>>, %arg9: memref<2432x8xf32, #tpu.memory_space<vmem>>, %arg10: memref<2432x8xf32, #tpu.memory_space<vmem>>, %arg11: memref<128x1xf32, #tpu.memory_space<vmem>>, %arg12: memref<128x8xf32, #tpu.memory_space<vmem>>, %arg13: memref<128x8xi32, #tpu.memory_space<vmem>>) attributes {dimension_semantics = [#tpu.dimension_semantics<arbitrary>, #tpu.dimension_semantics<arbitrary>, #tpu.dimension_semantics<arbitrary>], iteration_bounds = array<i64: 4, 18, 3>, scalar_prefetch = 0 : i64, scratch_operands = 7 : i64, tpu.core_type = #tpu.core_type<tc>, window_params = [{transform_indices = @transform_0, window_bounds = array<i64: 1, 3, 2432, 256>}, {transform_indices = @transform_1, window_bounds = array<i64: 1, 3, 2432, 256>}, {transform_indices = @transform_2, window_bounds = array<i64: 1, 128, 8>}, {transform_indices = @transform_3, window_bounds = array<i64: 1, 128, 8>}]} {
    %eq3A = arith.constant 0 : i32
    %eq3A_0 = arith.cmpi eq, %arg1, %eq3A : i32
    %eq3A_1 = arith.constant 0 : i32
    %eq3A_2 = arith.cmpi eq, %arg2, %eq3A_1 : i32
    %and3A = arith.andi %eq3A_0, %eq3A_2 : i1
    %convert_element_type3A = arith.extui %and3A : i1 to i32
    %cond3A = arith.constant 0 : i32
    %cond3A_3 = arith.cmpi ne, %convert_element_type3A, %cond3A : i32
    scf.if %cond3A_3 {
      %get3A_234 = arith.constant 0 : index
      %get3A_235 = arith.constant 0 : index
      %get3A_236 = arith.constant 0 : index
      %get3A_237 = arith.constant 0 : index
      %get3A_238 = vector.load %arg3[%get3A_234, %get3A_235, %get3A_236, %get3A_237] : memref<1x3x2432x256xf32, #tpu.memory_space<vmem>>, vector<1x1x2432x256xf32>
      %get3A_239 = vector.shape_cast %get3A_238 : vector<1x1x2432x256xf32> to vector<2432x256xf32>
      %mul3A_240 = arith.mulf %get3A_239, %get3A_239 : vector<2432x256xf32>
      %reduce_sum3A = arith.constant dense<0.000000e+00> : vector<2432xf32>
      %reduce_sum3A_241 = vector.multi_reduction <add>, %mul3A_240, %reduce_sum3A [1] : vector<2432x256xf32> to vector<2432xf32>
      %broadcast_in_dim3A_242 = vector.shape_cast %reduce_sum3A_241 : vector<2432xf32> to vector<2432x1xf32>
      %sqrt3A = math.sqrt %broadcast_in_dim3A_242 : vector<2432x1xf32>
      %max3A = arith.constant 9.99999996E-13 : f32
      %max3A_243 = vector.broadcast %max3A : f32 to vector<2432x1xf32>
      %max3A_244 = arith.maximumf %sqrt3A, %max3A_243 : vector<2432x1xf32>
      %swap3A_245 = arith.constant 0 : index
      %swap3A_246 = arith.constant 0 : index
      %swap3A_247 = vector.load %arg9[%swap3A_245, %swap3A_246] : memref<2432x8xf32, #tpu.memory_space<vmem>>, vector<2432x1xf32>
      tpu.vector_store %arg9[%swap3A_245, %swap3A_246], %max3A_244 {strides = array<i32>} : memref<2432x8xf32, #tpu.memory_space<vmem>>, vector<2432x1xf32>,
      %get3A_248 = arith.constant 0 : index
      %get3A_249 = arith.constant 0 : index
      %get3A_250 = arith.constant 0 : index
      %get3A_251 = arith.constant 0 : index
      %get3A_252 = vector.load %arg4[%get3A_248, %get3A_249, %get3A_250, %get3A_251] : memref<1x3x2432x256xf32, #tpu.memory_space<vmem>>, vector<1x1x2432x256xf32>
      %get3A_253 = vector.shape_cast %get3A_252 : vector<1x1x2432x256xf32> to vector<2432x256xf32>
      %mul3A_254 = arith.mulf %get3A_253, %get3A_253 : vector<2432x256xf32>
      %reduce_sum3A_255 = arith.constant dense<0.000000e+00> : vector<2432xf32>
      %reduce_sum3A_256 = vector.multi_reduction <add>, %mul3A_254, %reduce_sum3A_255 [1] : vector<2432x256xf32> to vector<2432xf32>
      %broadcast_in_dim3A_257 = vector.shape_cast %reduce_sum3A_256 : vector<2432xf32> to vector<2432x1xf32>
      %sqrt3A_258 = math.sqrt %broadcast_in_dim3A_257 : vector<2432x1xf32>
      %max3A_259 = arith.constant 9.99999996E-13 : f32
      %max3A_260 = vector.broadcast %max3A_259 : f32 to vector<2432x1xf32>
      %max3A_261 = arith.maximumf %sqrt3A_258, %max3A_260 : vector<2432x1xf32>
      %swap3A_262 = arith.constant 0 : index
      %swap3A_263 = arith.constant 0 : index
      %swap3A_264 = vector.load %arg10[%swap3A_262, %swap3A_263] : memref<2432x8xf32, #tpu.memory_space<vmem>>, vector<2432x1xf32>
      tpu.vector_store %arg10[%swap3A_262, %swap3A_263], %max3A_261 {strides = array<i32>} : memref<2432x8xf32, #tpu.memory_space<vmem>>, vector<2432x1xf32>,
      %get3A_265 = arith.constant 0 : index
      %get3A_266 = arith.constant 1 : index
      %get3A_267 = arith.constant 0 : index
      %get3A_268 = arith.constant 0 : index
      %get3A_269 = vector.load %arg3[%get3A_265, %get3A_266, %get3A_267, %get3A_268] : memref<1x3x2432x256xf32, #tpu.memory_space<vmem>>, vector<1x1x2432x256xf32>
      %get3A_270 = vector.shape_cast %get3A_269 : vector<1x1x2432x256xf32> to vector<2432x256xf32>
      %mul3A_271 = arith.mulf %get3A_270, %get3A_270 : vector<2432x256xf32>
      %reduce_sum3A_272 = arith.constant dense<0.000000e+00> : vector<2432xf32>
      %reduce_sum3A_273 = vector.multi_reduction <add>, %mul3A_271, %reduce_sum3A_272 [1] : vector<2432x256xf32> to vector<2432xf32>
      %broadcast_in_dim3A_274 = vector.shape_cast %reduce_sum3A_273 : vector<2432xf32> to vector<2432x1xf32>
      %sqrt3A_275 = math.sqrt %broadcast_in_dim3A_274 : vector<2432x1xf32>
      %max3A_276 = arith.constant 9.99999996E-13 : f32
      %max3A_277 = vector.broadcast %max3A_276 : f32 to vector<2432x1xf32>
      %max3A_278 = arith.maximumf %sqrt3A_275, %max3A_277 : vector<2432x1xf32>
      %swap3A_279 = arith.constant 0 : index
      %swap3A_280 = arith.constant 1 : index
      %swap3A_281 = vector.load %arg9[%swap3A_279, %swap3A_280] : memref<2432x8xf32, #tpu.memory_space<vmem>>, vector<2432x1xf32>
      tpu.vector_store %arg9[%swap3A_279, %swap3A_280], %max3A_278 {strides = array<i32>} : memref<2432x8xf32, #tpu.memory_space<vmem>>, vector<2432x1xf32>,
      %get3A_282 = arith.constant 0 : index
      %get3A_283 = arith.constant 1 : index
      %get3A_284 = arith.constant 0 : index
      %get3A_285 = arith.constant 0 : index
      %get3A_286 = vector.load %arg4[%get3A_282, %get3A_283, %get3A_284, %get3A_285] : memref<1x3x2432x256xf32, #tpu.memory_space<vmem>>, vector<1x1x2432x256xf32>
      %get3A_287 = vector.shape_cast %get3A_286 : vector<1x1x2432x256xf32> to vector<2432x256xf32>
      %mul3A_288 = arith.mulf %get3A_287, %get3A_287 : vector<2432x256xf32>
      %reduce_sum3A_289 = arith.constant dense<0.000000e+00> : vector<2432xf32>
      %reduce_sum3A_290 = vector.multi_reduction <add>, %mul3A_288, %reduce_sum3A_289 [1] : vector<2432x256xf32> to vector<2432xf32>
      %broadcast_in_dim3A_291 = vector.shape_cast %reduce_sum3A_290 : vector<2432xf32> to vector<2432x1xf32>
      %sqrt3A_292 = math.sqrt %broadcast_in_dim3A_291 : vector<2432x1xf32>
      %max3A_293 = arith.constant 9.99999996E-13 : f32
      %max3A_294 = vector.broadcast %max3A_293 : f32 to vector<2432x1xf32>
      %max3A_295 = arith.maximumf %sqrt3A_292, %max3A_294 : vector<2432x1xf32>
      %swap3A_296 = arith.constant 0 : index
      %swap3A_297 = arith.constant 1 : index
      %swap3A_298 = vector.load %arg10[%swap3A_296, %swap3A_297] : memref<2432x8xf32, #tpu.memory_space<vmem>>, vector<2432x1xf32>
      tpu.vector_store %arg10[%swap3A_296, %swap3A_297], %max3A_295 {strides = array<i32>} : memref<2432x8xf32, #tpu.memory_space<vmem>>, vector<2432x1xf32>,
      %get3A_299 = arith.constant 0 : index
      %get3A_300 = arith.constant 2 : index
      %get3A_301 = arith.constant 0 : index
      %get3A_302 = arith.constant 0 : index
      %get3A_303 = vector.load %arg3[%get3A_299, %get3A_300, %get3A_301, %get3A_302] : memref<1x3x2432x256xf32, #tpu.memory_space<vmem>>, vector<1x1x2432x256xf32>
      %get3A_304 = vector.shape_cast %get3A_303 : vector<1x1x2432x256xf32> to vector<2432x256xf32>
      %mul3A_305 = arith.mulf %get3A_304, %get3A_304 : vector<2432x256xf32>
      %reduce_sum3A_306 = arith.constant dense<0.000000e+00> : vector<2432xf32>
      %reduce_sum3A_307 = vector.multi_reduction <add>, %mul3A_305, %reduce_sum3A_306 [1] : vector<2432x256xf32> to vector<2432xf32>
      %broadcast_in_dim3A_308 = vector.shape_cast %reduce_sum3A_307 : vector<2432xf32> to vector<2432x1xf32>
      %sqrt3A_309 = math.sqrt %broadcast_in_dim3A_308 : vector<2432x1xf32>
      %max3A_310 = arith.constant 9.99999996E-13 : f32
      %max3A_311 = vector.broadcast %max3A_310 : f32 to vector<2432x1xf32>
      %max3A_312 = arith.maximumf %sqrt3A_309, %max3A_311 : vector<2432x1xf32>
      %swap3A_313 = arith.constant 0 : index
      %swap3A_314 = arith.constant 2 : index
      %swap3A_315 = vector.load %arg9[%swap3A_313, %swap3A_314] : memref<2432x8xf32, #tpu.memory_space<vmem>>, vector<2432x1xf32>
      tpu.vector_store %arg9[%swap3A_313, %swap3A_314], %max3A_312 {strides = array<i32>} : memref<2432x8xf32, #tpu.memory_space<vmem>>, vector<2432x1xf32>,
      %get3A_316 = arith.constant 0 : index
      %get3A_317 = arith.constant 2 : index
      %get3A_318 = arith.constant 0 : index
      %get3A_319 = arith.constant 0 : index
      %get3A_320 = vector.load %arg4[%get3A_316, %get3A_317, %get3A_318, %get3A_319] : memref<1x3x2432x256xf32, #tpu.memory_space<vmem>>, vector<1x1x2432x256xf32>
      %get3A_321 = vector.shape_cast %get3A_320 : vector<1x1x2432x256xf32> to vector<2432x256xf32>
      %mul3A_322 = arith.mulf %get3A_321, %get3A_321 : vector<2432x256xf32>
      %reduce_sum3A_323 = arith.constant dense<0.000000e+00> : vector<2432xf32>
      %reduce_sum3A_324 = vector.multi_reduction <add>, %mul3A_322, %reduce_sum3A_323 [1] : vector<2432x256xf32> to vector<2432xf32>
      %broadcast_in_dim3A_325 = vector.shape_cast %reduce_sum3A_324 : vector<2432xf32> to vector<2432x1xf32>
      %sqrt3A_326 = math.sqrt %broadcast_in_dim3A_325 : vector<2432x1xf32>
      %max3A_327 = arith.constant 9.99999996E-13 : f32
      %max3A_328 = vector.broadcast %max3A_327 : f32 to vector<2432x1xf32>
      %max3A_329 = arith.maximumf %sqrt3A_326, %max3A_328 : vector<2432x1xf32>
      %swap3A_330 = arith.constant 0 : index
      %swap3A_331 = arith.constant 2 : index
      %swap3A_332 = vector.load %arg10[%swap3A_330, %swap3A_331] : memref<2432x8xf32, #tpu.memory_space<vmem>>, vector<2432x1xf32>
      tpu.vector_store %arg10[%swap3A_330, %swap3A_331], %max3A_329 {strides = array<i32>} : memref<2432x8xf32, #tpu.memory_space<vmem>>, vector<2432x1xf32>,
      %get3A_333 = arith.constant 0 : index
      %get3A_334 = arith.constant 0 : index
      %get3A_335 = arith.constant 0 : index
      %get3A_336 = arith.constant 0 : index
      %get3A_337 = vector.load %arg4[%get3A_333, %get3A_334, %get3A_335, %get3A_336] : memref<1x3x2432x256xf32, #tpu.memory_space<vmem>>, vector<1x1x2304x256xf32>
      %get3A_338 = vector.shape_cast %get3A_337 : vector<1x1x2304x256xf32> to vector<2304x256xf32>
      %get3A_339 = arith.constant 0 : index
      %get3A_340 = arith.constant 0 : index
      %get3A_341 = vector.load %arg10[%get3A_339, %get3A_340] : memref<2432x8xf32, #tpu.memory_space<vmem>>, vector<2304x1xf32>
      %div3A = vector.broadcast %get3A_341 : vector<2304x1xf32> to vector<2304x256xf32>
      %div3A_342 = arith.divf %get3A_338, %div3A : vector<2304x256xf32>
      %swap3A_343 = arith.constant 0 : index
      %swap3A_344 = arith.constant 0 : index
      %swap3A_345 = vector.load %arg7[%swap3A_343, %swap3A_344] : memref<2304x2304xf32, #tpu.memory_space<vmem>>, vector<2304x256xf32>
      tpu.vector_store %arg7[%swap3A_343, %swap3A_344], %div3A_342 {strides = array<i32>} : memref<2304x2304xf32, #tpu.memory_space<vmem>>, vector<2304x256xf32>,
      %get3A_346 = arith.constant 0 : index
      %get3A_347 = arith.constant 1 : index
      %get3A_348 = arith.constant 0 : index
      %get3A_349 = arith.constant 0 : index
      %get3A_350 = vector.load %arg4[%get3A_346, %get3A_347, %get3A_348, %get3A_349] : memref<1x3x2432x256xf32, #tpu.memory_space<vmem>>, vector<1x1x2304x256xf32>
      %get3A_351 = vector.shape_cast %get3A_350 : vector<1x1x2304x256xf32> to vector<2304x256xf32>
      %get3A_352 = arith.constant 0 : index
      %get3A_353 = arith.constant 1 : index
      %get3A_354 = vector.load %arg10[%get3A_352, %get3A_353] : memref<2432x8xf32, #tpu.memory_space<vmem>>, vector<2304x1xf32>
      %div3A_355 = vector.broadcast %get3A_354 : vector<2304x1xf32> to vector<2304x256xf32>
      %div3A_356 = arith.divf %get3A_351, %div3A_355 : vector<2304x256xf32>
      %swap3A_357 = arith.constant 0 : index
      %swap3A_358 = arith.constant 256 : index
      %swap3A_359 = vector.load %arg7[%swap3A_357, %swap3A_358] : memref<2304x2304xf32, #tpu.memory_space<vmem>>, vector<2304x256xf32>
      tpu.vector_store %arg7[%swap3A_357, %swap3A_358], %div3A_356 {strides = array<i32>} : memref<2304x2304xf32, #tpu.memory_space<vmem>>, vector<2304x256xf32>,
      %get3A_360 = arith.constant 0 : index
      %get3A_361 = arith.constant 2 : index
      %get3A_362 = arith.constant 0 : index
      %get3A_363 = arith.constant 0 : index
      %get3A_364 = vector.load %arg4[%get3A_360, %get3A_361, %get3A_362, %get3A_363] : memref<1x3x2432x256xf32, #tpu.memory_space<vmem>>, vector<1x1x2304x256xf32>
      %get3A_365 = vector.shape_cast %get3A_364 : vector<1x1x2304x256xf32> to vector<2304x256xf32>
      %get3A_366 = arith.constant 0 : index
      %get3A_367 = arith.constant 2 : index
      %get3A_368 = vector.load %arg10[%get3A_366, %get3A_367] : memref<2432x8xf32, #tpu.memory_space<vmem>>, vector<2304x1xf32>
      %div3A_369 = vector.broadcast %get3A_368 : vector<2304x1xf32> to vector<2304x256xf32>
      %div3A_370 = arith.divf %get3A_365, %div3A_369 : vector<2304x256xf32>
      %swap3A_371 = arith.constant 0 : index
      %swap3A_372 = arith.constant 512 : index
      %swap3A_373 = vector.load %arg7[%swap3A_371, %swap3A_372] : memref<2304x2304xf32, #tpu.memory_space<vmem>>, vector<2304x256xf32>
      tpu.vector_store %arg7[%swap3A_371, %swap3A_372], %div3A_370 {strides = array<i32>} : memref<2304x2304xf32, #tpu.memory_space<vmem>>, vector<2304x256xf32>,
      %get3A_374 = arith.constant 0 : index
      %get3A_375 = arith.constant 0 : index
      %get3A_376 = arith.constant 48 : index
      %get3A_377 = arith.constant 0 : index
      %get3A_378 = vector.load %arg4[%get3A_374, %get3A_375, %get3A_376, %get3A_377] : memref<1x3x2432x256xf32, #tpu.memory_space<vmem>>, vector<1x1x2304x256xf32>
      %get3A_379 = vector.shape_cast %get3A_378 : vector<1x1x2304x256xf32> to vector<2304x256xf32>
      %get3A_380 = arith.constant 48 : index
      %get3A_381 = arith.constant 0 : index
      %get3A_382 = vector.load %arg10[%get3A_380, %get3A_381] : memref<2432x8xf32, #tpu.memory_space<vmem>>, vector<2304x1xf32>
      %div3A_383 = vector.broadcast %get3A_382 : vector<2304x1xf32> to vector<2304x256xf32>
      %div3A_384 = arith.divf %get3A_379, %div3A_383 : vector<2304x256xf32>
      %swap3A_385 = arith.constant 0 : index
      %swap3A_386 = arith.constant 768 : index
      %swap3A_387 = vector.load %arg7[%swap3A_385, %swap3A_386] : memref<2304x2304xf32, #tpu.memory_space<vmem>>, vector<2304x256xf32>
      tpu.vector_store %arg7[%swap3A_385, %swap3A_386], %div3A_384 {strides = array<i32>} : memref<2304x2304xf32, #tpu.memory_space<vmem>>, vector<2304x256xf32>,
      %get3A_388 = arith.constant 0 : index
      %get3A_389 = arith.constant 1 : index
      %get3A_390 = arith.constant 48 : index
      %get3A_391 = arith.constant 0 : index
      %get3A_392 = vector.load %arg4[%get3A_388, %get3A_389, %get3A_390, %get3A_391] : memref<1x3x2432x256xf32, #tpu.memory_space<vmem>>, vector<1x1x2304x256xf32>
      %get3A_393 = vector.shape_cast %get3A_392 : vector<1x1x2304x256xf32> to vector<2304x256xf32>
      %get3A_394 = arith.constant 48 : index
      %get3A_395 = arith.constant 1 : index
      %get3A_396 = vector.load %arg10[%get3A_394, %get3A_395] : memref<2432x8xf32, #tpu.memory_space<vmem>>, vector<2304x1xf32>
      %div3A_397 = vector.broadcast %get3A_396 : vector<2304x1xf32> to vector<2304x256xf32>
      %div3A_398 = arith.divf %get3A_393, %div3A_397 : vector<2304x256xf32>
      %swap3A_399 = arith.constant 0 : index
      %swap3A_400 = arith.constant 1024 : index
      %swap3A_401 = vector.load %arg7[%swap3A_399, %swap3A_400] : memref<2304x2304xf32, #tpu.memory_space<vmem>>, vector<2304x256xf32>
      tpu.vector_store %arg7[%swap3A_399, %swap3A_400], %div3A_398 {strides = array<i32>} : memref<2304x2304xf32, #tpu.memory_space<vmem>>, vector<2304x256xf32>,
      %get3A_402 = arith.constant 0 : index
      %get3A_403 = arith.constant 2 : index
      %get3A_404 = arith.constant 48 : index
      %get3A_405 = arith.constant 0 : index
      %get3A_406 = vector.load %arg4[%get3A_402, %get3A_403, %get3A_404, %get3A_405] : memref<1x3x2432x256xf32, #tpu.memory_space<vmem>>, vector<1x1x2304x256xf32>
      %get3A_407 = vector.shape_cast %get3A_406 : vector<1x1x2304x256xf32> to vector<2304x256xf32>
      %get3A_408 = arith.constant 48 : index
      %get3A_409 = arith.constant 2 : index
      %get3A_410 = vector.load %arg10[%get3A_408, %get3A_409] : memref<2432x8xf32, #tpu.memory_space<vmem>>, vector<2304x1xf32>
      %div3A_411 = vector.broadcast %get3A_410 : vector<2304x1xf32> to vector<2304x256xf32>
      %div3A_412 = arith.divf %get3A_407, %div3A_411 : vector<2304x256xf32>
      %swap3A_413 = arith.constant 0 : index
      %swap3A_414 = arith.constant 1280 : index
      %swap3A_415 = vector.load %arg7[%swap3A_413, %swap3A_414] : memref<2304x2304xf32, #tpu.memory_space<vmem>>, vector<2304x256xf32>
      tpu.vector_store %arg7[%swap3A_413, %swap3A_414], %div3A_412 {strides = array<i32>} : memref<2304x2304xf32, #tpu.memory_space<vmem>>, vector<2304x256xf32>,
      %get3A_416 = arith.constant 0 : index
      %get3A_417 = arith.constant 0 : index
      %get3A_418 = arith.constant 96 : index
      %get3A_419 = arith.constant 0 : index
      %get3A_420 = vector.load %arg4[%get3A_416, %get3A_417, %get3A_418, %get3A_419] : memref<1x3x2432x256xf32, #tpu.memory_space<vmem>>, vector<1x1x2304x256xf32>
      %get3A_421 = vector.shape_cast %get3A_420 : vector<1x1x2304x256xf32> to vector<2304x256xf32>
      %get3A_422 = arith.constant 96 : index
      %get3A_423 = arith.constant 0 : index
      %get3A_424 = vector.load %arg10[%get3A_422, %get3A_423] : memref<2432x8xf32, #tpu.memory_space<vmem>>, vector<2304x1xf32>
      %div3A_425 = vector.broadcast %get3A_424 : vector<2304x1xf32> to vector<2304x256xf32>
      %div3A_426 = arith.divf %get3A_421, %div3A_425 : vector<2304x256xf32>
      %swap3A_427 = arith.constant 0 : index
      %swap3A_428 = arith.constant 1536 : index
      %swap3A_429 = vector.load %arg7[%swap3A_427, %swap3A_428] : memref<2304x2304xf32, #tpu.memory_space<vmem>>, vector<2304x256xf32>
      tpu.vector_store %arg7[%swap3A_427, %swap3A_428], %div3A_426 {strides = array<i32>} : memref<2304x2304xf32, #tpu.memory_space<vmem>>, vector<2304x256xf32>,
      %get3A_430 = arith.constant 0 : index
      %get3A_431 = arith.constant 1 : index
      %get3A_432 = arith.constant 96 : index
      %get3A_433 = arith.constant 0 : index
      %get3A_434 = vector.load %arg4[%get3A_430, %get3A_431, %get3A_432, %get3A_433] : memref<1x3x2432x256xf32, #tpu.memory_space<vmem>>, vector<1x1x2304x256xf32>
      %get3A_435 = vector.shape_cast %get3A_434 : vector<1x1x2304x256xf32> to vector<2304x256xf32>
      %get3A_436 = arith.constant 96 : index
      %get3A_437 = arith.constant 1 : index
      %get3A_438 = vector.load %arg10[%get3A_436, %get3A_437] : memref<2432x8xf32, #tpu.memory_space<vmem>>, vector<2304x1xf32>
      %div3A_439 = vector.broadcast %get3A_438 : vector<2304x1xf32> to vector<2304x256xf32>
      %div3A_440 = arith.divf %get3A_435, %div3A_439 : vector<2304x256xf32>
      %swap3A_441 = arith.constant 0 : index
      %swap3A_442 = arith.constant 1792 : index
      %swap3A_443 = vector.load %arg7[%swap3A_441, %swap3A_442] : memref<2304x2304xf32, #tpu.memory_space<vmem>>, vector<2304x256xf32>
      tpu.vector_store %arg7[%swap3A_441, %swap3A_442], %div3A_440 {strides = array<i32>} : memref<2304x2304xf32, #tpu.memory_space<vmem>>, vector<2304x256xf32>,
      %get3A_444 = arith.constant 0 : index
      %get3A_445 = arith.constant 2 : index
      %get3A_446 = arith.constant 96 : index
      %get3A_447 = arith.constant 0 : index
      %get3A_448 = vector.load %arg4[%get3A_444, %get3A_445, %get3A_446, %get3A_447] : memref<1x3x2432x256xf32, #tpu.memory_space<vmem>>, vector<1x1x2304x256xf32>
      %get3A_449 = vector.shape_cast %get3A_448 : vector<1x1x2304x256xf32> to vector<2304x256xf32>
      %get3A_450 = arith.constant 96 : index
      %get3A_451 = arith.constant 2 : index
      %get3A_452 = vector.load %arg10[%get3A_450, %get3A_451] : memref<2432x8xf32, #tpu.memory_space<vmem>>, vector<2304x1xf32>
      %div3A_453 = vector.broadcast %get3A_452 : vector<2304x1xf32> to vector<2304x256xf32>
      %div3A_454 = arith.divf %get3A_449, %div3A_453 : vector<2304x256xf32>
      %swap3A_455 = arith.constant 0 : index
      %swap3A_456 = arith.constant 2048 : index
      %swap3A_457 = vector.load %arg7[%swap3A_455, %swap3A_456] : memref<2304x2304xf32, #tpu.memory_space<vmem>>, vector<2304x256xf32>
      tpu.vector_store %arg7[%swap3A_455, %swap3A_456], %div3A_454 {strides = array<i32>} : memref<2304x2304xf32, #tpu.memory_space<vmem>>, vector<2304x256xf32>,
      %get3A_458 = arith.constant 0 : index
      %get3A_459 = arith.constant 0 : index
      %get3A_460 = vector.load %arg7[%get3A_458, %get3A_459] : memref<2304x2304xf32, #tpu.memory_space<vmem>>, vector<2304x2304xf32>
      %mul3A_461 = arith.mulf %get3A_460, %get3A_460 : vector<2304x2304xf32>
      %reduce_sum3A_462 = arith.constant dense<0.000000e+00> : vector<2304xf32>
      %reduce_sum3A_463 = vector.multi_reduction <add>, %mul3A_461, %reduce_sum3A_462 [1] : vector<2304x2304xf32> to vector<2304xf32>
      %broadcast_in_dim3A_464 = vector.shape_cast %reduce_sum3A_463 : vector<2304xf32> to vector<2304x1xf32>
      %sqrt3A_465 = math.sqrt %broadcast_in_dim3A_464 : vector<2304x1xf32>
      %add3A_466 = arith.constant 9.99999974E-6 : f32
      %add3A_467 = vector.broadcast %add3A_466 : f32 to vector<2304x1xf32>
      %add3A_468 = arith.addf %sqrt3A_465, %add3A_467 : vector<2304x1xf32>
      %div3A_469 = vector.broadcast %add3A_468 : vector<2304x1xf32> to vector<2304x2304xf32>
      %div3A_470 = arith.divf %get3A_460, %div3A_469 : vector<2304x2304xf32>
      %swap3A_471 = arith.constant 0 : index
      %swap3A_472 = arith.constant 0 : index
      %swap3A_473 = vector.load %arg7[%swap3A_471, %swap3A_472] : memref<2304x2304xf32, #tpu.memory_space<vmem>>, vector<2304x2304xf32>
      tpu.vector_store %arg7[%swap3A_471, %swap3A_472], %div3A_470 {strides = array<i32>} : memref<2304x2304xf32, #tpu.memory_space<vmem>>, vector<2304x2304xf32>,
    } else {
    }
    %eq3A_4 = arith.constant 0 : i32
    %eq3A_5 = arith.cmpi eq, %arg2, %eq3A_4 : i32
    %convert_element_type3A_6 = arith.extui %eq3A_5 : i1 to i32
    %cond3A_7 = arith.constant 0 : i32
    %cond3A_8 = arith.cmpi ne, %convert_element_type3A_6, %cond3A_7 : i32
    scf.if %cond3A_8 {
      %mul3A_234 = arith.constant 128 : i32
      %mul3A_235 = arith.muli %arg1, %mul3A_234 : i32
      %multiple_of3A = tpu.assume_multiple %mul3A_235, 128 : i32
      %add3A_236 = arith.constant 0 : i32
      %add3A_237 = arith.addi %multiple_of3A, %add3A_236 : i32
      %get3A_238 = arith.constant 0 : index
      %get3A_239 = arith.constant 0 : index
      %get3A_240 = arith.index_cast %add3A_237 : i32 to index
      %get3A_241 = arith.constant 0 : index
      %get3A_242 = vector.load %arg3[%get3A_238, %get3A_239, %get3A_240, %get3A_241] : memref<1x3x2432x256xf32, #tpu.memory_space<vmem>>, vector<1x1x128x256xf32>
      %get3A_243 = vector.shape_cast %get3A_242 : vector<1x1x128x256xf32> to vector<128x256xf32>
      %add3A_244 = arith.constant 0 : i32
      %add3A_245 = arith.addi %multiple_of3A, %add3A_244 : i32
      %get3A_246 = arith.index_cast %add3A_245 : i32 to index
      %get3A_247 = arith.constant 0 : index
      %get3A_248 = vector.load %arg9[%get3A_246, %get3A_247] : memref<2432x8xf32, #tpu.memory_space<vmem>>, vector<128x1xf32>
      %div3A = vector.broadcast %get3A_248 : vector<128x1xf32> to vector<128x256xf32>
      %div3A_249 = arith.divf %get3A_243, %div3A : vector<128x256xf32>
      %swap3A_250 = arith.constant 0 : index
      %swap3A_251 = arith.constant 0 : index
      %swap3A_252 = vector.load %arg8[%swap3A_250, %swap3A_251] : memref<128x2304xf32, #tpu.memory_space<vmem>>, vector<128x256xf32>
      tpu.vector_store %arg8[%swap3A_250, %swap3A_251], %div3A_249 {strides = array<i32>} : memref<128x2304xf32, #tpu.memory_space<vmem>>, vector<128x256xf32>,
      %add3A_253 = arith.constant 0 : i32
      %add3A_254 = arith.addi %multiple_of3A, %add3A_253 : i32
      %get3A_255 = arith.constant 0 : index
      %get3A_256 = arith.constant 1 : index
      %get3A_257 = arith.index_cast %add3A_254 : i32 to index
      %get3A_258 = arith.constant 0 : index
      %get3A_259 = vector.load %arg3[%get3A_255, %get3A_256, %get3A_257, %get3A_258] : memref<1x3x2432x256xf32, #tpu.memory_space<vmem>>, vector<1x1x128x256xf32>
      %get3A_260 = vector.shape_cast %get3A_259 : vector<1x1x128x256xf32> to vector<128x256xf32>
      %add3A_261 = arith.constant 0 : i32
      %add3A_262 = arith.addi %multiple_of3A, %add3A_261 : i32
      %get3A_263 = arith.index_cast %add3A_262 : i32 to index
      %get3A_264 = arith.constant 1 : index
      %get3A_265 = vector.load %arg9[%get3A_263, %get3A_264] : memref<2432x8xf32, #tpu.memory_space<vmem>>, vector<128x1xf32>
      %div3A_266 = vector.broadcast %get3A_265 : vector<128x1xf32> to vector<128x256xf32>
      %div3A_267 = arith.divf %get3A_260, %div3A_266 : vector<128x256xf32>
      %swap3A_268 = arith.constant 0 : index
      %swap3A_269 = arith.constant 256 : index
      %swap3A_270 = vector.load %arg8[%swap3A_268, %swap3A_269] : memref<128x2304xf32, #tpu.memory_space<vmem>>, vector<128x256xf32>
      tpu.vector_store %arg8[%swap3A_268, %swap3A_269], %div3A_267 {strides = array<i32>} : memref<128x2304xf32, #tpu.memory_space<vmem>>, vector<128x256xf32>,
      %add3A_271 = arith.constant 0 : i32
      %add3A_272 = arith.addi %multiple_of3A, %add3A_271 : i32
      %get3A_273 = arith.constant 0 : index
      %get3A_274 = arith.constant 2 : index
      %get3A_275 = arith.index_cast %add3A_272 : i32 to index
      %get3A_276 = arith.constant 0 : index
      %get3A_277 = vector.load %arg3[%get3A_273, %get3A_274, %get3A_275, %get3A_276] : memref<1x3x2432x256xf32, #tpu.memory_space<vmem>>, vector<1x1x128x256xf32>
      %get3A_278 = vector.shape_cast %get3A_277 : vector<1x1x128x256xf32> to vector<128x256xf32>
      %add3A_279 = arith.constant 0 : i32
      %add3A_280 = arith.addi %multiple_of3A, %add3A_279 : i32
      %get3A_281 = arith.index_cast %add3A_280 : i32 to index
      %get3A_282 = arith.constant 2 : index
      %get3A_283 = vector.load %arg9[%get3A_281, %get3A_282] : memref<2432x8xf32, #tpu.memory_space<vmem>>, vector<128x1xf32>
      %div3A_284 = vector.broadcast %get3A_283 : vector<128x1xf32> to vector<128x256xf32>
      %div3A_285 = arith.divf %get3A_278, %div3A_284 : vector<128x256xf32>
      %swap3A_286 = arith.constant 0 : index
      %swap3A_287 = arith.constant 512 : index
      %swap3A_288 = vector.load %arg8[%swap3A_286, %swap3A_287] : memref<128x2304xf32, #tpu.memory_space<vmem>>, vector<128x256xf32>
      tpu.vector_store %arg8[%swap3A_286, %swap3A_287], %div3A_285 {strides = array<i32>} : memref<128x2304xf32, #tpu.memory_space<vmem>>, vector<128x256xf32>,
      %add3A_289 = arith.constant 48 : i32
      %add3A_290 = arith.addi %multiple_of3A, %add3A_289 : i32
      %get3A_291 = arith.constant 0 : index
      %get3A_292 = arith.constant 0 : index
      %get3A_293 = arith.index_cast %add3A_290 : i32 to index
      %get3A_294 = arith.constant 0 : index
      %get3A_295 = vector.load %arg3[%get3A_291, %get3A_292, %get3A_293, %get3A_294] : memref<1x3x2432x256xf32, #tpu.memory_space<vmem>>, vector<1x1x128x256xf32>
      %get3A_296 = vector.shape_cast %get3A_295 : vector<1x1x128x256xf32> to vector<128x256xf32>
      %add3A_297 = arith.constant 48 : i32
      %add3A_298 = arith.addi %multiple_of3A, %add3A_297 : i32
      %get3A_299 = arith.index_cast %add3A_298 : i32 to index
      %get3A_300 = arith.constant 0 : index
      %get3A_301 = vector.load %arg9[%get3A_299, %get3A_300] : memref<2432x8xf32, #tpu.memory_space<vmem>>, vector<128x1xf32>
      %div3A_302 = vector.broadcast %get3A_301 : vector<128x1xf32> to vector<128x256xf32>
      %div3A_303 = arith.divf %get3A_296, %div3A_302 : vector<128x256xf32>
      %swap3A_304 = arith.constant 0 : index
      %swap3A_305 = arith.constant 768 : index
      %swap3A_306 = vector.load %arg8[%swap3A_304, %swap3A_305] : memref<128x2304xf32, #tpu.memory_space<vmem>>, vector<128x256xf32>
      tpu.vector_store %arg8[%swap3A_304, %swap3A_305], %div3A_303 {strides = array<i32>} : memref<128x2304xf32, #tpu.memory_space<vmem>>, vector<128x256xf32>,
      %add3A_307 = arith.constant 48 : i32
      %add3A_308 = arith.addi %multiple_of3A, %add3A_307 : i32
      %get3A_309 = arith.constant 0 : index
      %get3A_310 = arith.constant 1 : index
      %get3A_311 = arith.index_cast %add3A_308 : i32 to index
      %get3A_312 = arith.constant 0 : index
      %get3A_313 = vector.load %arg3[%get3A_309, %get3A_310, %get3A_311, %get3A_312] : memref<1x3x2432x256xf32, #tpu.memory_space<vmem>>, vector<1x1x128x256xf32>
      %get3A_314 = vector.shape_cast %get3A_313 : vector<1x1x128x256xf32> to vector<128x256xf32>
      %add3A_315 = arith.constant 48 : i32
      %add3A_316 = arith.addi %multiple_of3A, %add3A_315 : i32
      %get3A_317 = arith.index_cast %add3A_316 : i32 to index
      %get3A_318 = arith.constant 1 : index
      %get3A_319 = vector.load %arg9[%get3A_317, %get3A_318] : memref<2432x8xf32, #tpu.memory_space<vmem>>, vector<128x1xf32>
      %div3A_320 = vector.broadcast %get3A_319 : vector<128x1xf32> to vector<128x256xf32>
      %div3A_321 = arith.divf %get3A_314, %div3A_320 : vector<128x256xf32>
      %swap3A_322 = arith.constant 0 : index
      %swap3A_323 = arith.constant 1024 : index
      %swap3A_324 = vector.load %arg8[%swap3A_322, %swap3A_323] : memref<128x2304xf32, #tpu.memory_space<vmem>>, vector<128x256xf32>
      tpu.vector_store %arg8[%swap3A_322, %swap3A_323], %div3A_321 {strides = array<i32>} : memref<128x2304xf32, #tpu.memory_space<vmem>>, vector<128x256xf32>,
      %add3A_325 = arith.constant 48 : i32
      %add3A_326 = arith.addi %multiple_of3A, %add3A_325 : i32
      %get3A_327 = arith.constant 0 : index
      %get3A_328 = arith.constant 2 : index
      %get3A_329 = arith.index_cast %add3A_326 : i32 to index
      %get3A_330 = arith.constant 0 : index
      %get3A_331 = vector.load %arg3[%get3A_327, %get3A_328, %get3A_329, %get3A_330] : memref<1x3x2432x256xf32, #tpu.memory_space<vmem>>, vector<1x1x128x256xf32>
      %get3A_332 = vector.shape_cast %get3A_331 : vector<1x1x128x256xf32> to vector<128x256xf32>
      %add3A_333 = arith.constant 48 : i32
      %add3A_334 = arith.addi %multiple_of3A, %add3A_333 : i32
      %get3A_335 = arith.index_cast %add3A_334 : i32 to index
      %get3A_336 = arith.constant 2 : index
      %get3A_337 = vector.load %arg9[%get3A_335, %get3A_336] : memref<2432x8xf32, #tpu.memory_space<vmem>>, vector<128x1xf32>
      %div3A_338 = vector.broadcast %get3A_337 : vector<128x1xf32> to vector<128x256xf32>
      %div3A_339 = arith.divf %get3A_332, %div3A_338 : vector<128x256xf32>
      %swap3A_340 = arith.constant 0 : index
      %swap3A_341 = arith.constant 1280 : index
      %swap3A_342 = vector.load %arg8[%swap3A_340, %swap3A_341] : memref<128x2304xf32, #tpu.memory_space<vmem>>, vector<128x256xf32>
      tpu.vector_store %arg8[%swap3A_340, %swap3A_341], %div3A_339 {strides = array<i32>} : memref<128x2304xf32, #tpu.memory_space<vmem>>, vector<128x256xf32>,
      %add3A_343 = arith.constant 96 : i32
      %add3A_344 = arith.addi %multiple_of3A, %add3A_343 : i32
      %get3A_345 = arith.constant 0 : index
      %get3A_346 = arith.constant 0 : index
      %get3A_347 = arith.index_cast %add3A_344 : i32 to index
      %get3A_348 = arith.constant 0 : index
      %get3A_349 = vector.load %arg3[%get3A_345, %get3A_346, %get3A_347, %get3A_348] : memref<1x3x2432x256xf32, #tpu.memory_space<vmem>>, vector<1x1x128x256xf32>
      %get3A_350 = vector.shape_cast %get3A_349 : vector<1x1x128x256xf32> to vector<128x256xf32>
      %add3A_351 = arith.constant 96 : i32
      %add3A_352 = arith.addi %multiple_of3A, %add3A_351 : i32
      %get3A_353 = arith.index_cast %add3A_352 : i32 to index
      %get3A_354 = arith.constant 0 : index
      %get3A_355 = vector.load %arg9[%get3A_353, %get3A_354] : memref<2432x8xf32, #tpu.memory_space<vmem>>, vector<128x1xf32>
      %div3A_356 = vector.broadcast %get3A_355 : vector<128x1xf32> to vector<128x256xf32>
      %div3A_357 = arith.divf %get3A_350, %div3A_356 : vector<128x256xf32>
      %swap3A_358 = arith.constant 0 : index
      %swap3A_359 = arith.constant 1536 : index
      %swap3A_360 = vector.load %arg8[%swap3A_358, %swap3A_359] : memref<128x2304xf32, #tpu.memory_space<vmem>>, vector<128x256xf32>
      tpu.vector_store %arg8[%swap3A_358, %swap3A_359], %div3A_357 {strides = array<i32>} : memref<128x2304xf32, #tpu.memory_space<vmem>>, vector<128x256xf32>,
      %add3A_361 = arith.constant 96 : i32
      %add3A_362 = arith.addi %multiple_of3A, %add3A_361 : i32
      %get3A_363 = arith.constant 0 : index
      %get3A_364 = arith.constant 1 : index
      %get3A_365 = arith.index_cast %add3A_362 : i32 to index
      %get3A_366 = arith.constant 0 : index
      %get3A_367 = vector.load %arg3[%get3A_363, %get3A_364, %get3A_365, %get3A_366] : memref<1x3x2432x256xf32, #tpu.memory_space<vmem>>, vector<1x1x128x256xf32>
      %get3A_368 = vector.shape_cast %get3A_367 : vector<1x1x128x256xf32> to vector<128x256xf32>
      %add3A_369 = arith.constant 96 : i32
      %add3A_370 = arith.addi %multiple_of3A, %add3A_369 : i32
      %get3A_371 = arith.index_cast %add3A_370 : i32 to index
      %get3A_372 = arith.constant 1 : index
      %get3A_373 = vector.load %arg9[%get3A_371, %get3A_372] : memref<2432x8xf32, #tpu.memory_space<vmem>>, vector<128x1xf32>
      %div3A_374 = vector.broadcast %get3A_373 : vector<128x1xf32> to vector<128x256xf32>
      %div3A_375 = arith.divf %get3A_368, %div3A_374 : vector<128x256xf32>
      %swap3A_376 = arith.constant 0 : index
      %swap3A_377 = arith.constant 1792 : index
      %swap3A_378 = vector.load %arg8[%swap3A_376, %swap3A_377] : memref<128x2304xf32, #tpu.memory_space<vmem>>, vector<128x256xf32>
      tpu.vector_store %arg8[%swap3A_376, %swap3A_377], %div3A_375 {strides = array<i32>} : memref<128x2304xf32, #tpu.memory_space<vmem>>, vector<128x256xf32>,
      %add3A_379 = arith.constant 96 : i32
      %add3A_380 = arith.addi %multiple_of3A, %add3A_379 : i32
      %get3A_381 = arith.constant 0 : index
      %get3A_382 = arith.constant 2 : index
      %get3A_383 = arith.index_cast %add3A_380 : i32 to index
      %get3A_384 = arith.constant 0 : index
      %get3A_385 = vector.load %arg3[%get3A_381, %get3A_382, %get3A_383, %get3A_384] : memref<1x3x2432x256xf32, #tpu.memory_space<vmem>>, vector<1x1x128x256xf32>
      %get3A_386 = vector.shape_cast %get3A_385 : vector<1x1x128x256xf32> to vector<128x256xf32>
      %add3A_387 = arith.constant 96 : i32
      %add3A_388 = arith.addi %multiple_of3A, %add3A_387 : i32
      %get3A_389 = arith.index_cast %add3A_388 : i32 to index
      %get3A_390 = arith.constant 2 : index
      %get3A_391 = vector.load %arg9[%get3A_389, %get3A_390] : memref<2432x8xf32, #tpu.memory_space<vmem>>, vector<128x1xf32>
      %div3A_392 = vector.broadcast %get3A_391 : vector<128x1xf32> to vector<128x256xf32>
      %div3A_393 = arith.divf %get3A_386, %div3A_392 : vector<128x256xf32>
      %swap3A_394 = arith.constant 0 : index
      %swap3A_395 = arith.constant 2048 : index
      %swap3A_396 = vector.load %arg8[%swap3A_394, %swap3A_395] : memref<128x2304xf32, #tpu.memory_space<vmem>>, vector<128x256xf32>
      tpu.vector_store %arg8[%swap3A_394, %swap3A_395], %div3A_393 {strides = array<i32>} : memref<128x2304xf32, #tpu.memory_space<vmem>>, vector<128x256xf32>,
      %get3A_397 = arith.constant 0 : index
      %get3A_398 = arith.constant 0 : index
      %get3A_399 = vector.load %arg8[%get3A_397, %get3A_398] : memref<128x2304xf32, #tpu.memory_space<vmem>>, vector<128x2304xf32>
      %mul3A_400 = arith.mulf %get3A_399, %get3A_399 : vector<128x2304xf32>
      %reduce_sum3A = arith.constant dense<0.000000e+00> : vector<128xf32>
      %reduce_sum3A_401 = vector.multi_reduction <add>, %mul3A_400, %reduce_sum3A [1] : vector<128x2304xf32> to vector<128xf32>
      %broadcast_in_dim3A_402 = vector.shape_cast %reduce_sum3A_401 : vector<128xf32> to vector<128x1xf32>
      %sqrt3A = math.sqrt %broadcast_in_dim3A_402 : vector<128x1xf32>
      %add3A_403 = arith.constant 9.99999974E-6 : f32
      %add3A_404 = vector.broadcast %add3A_403 : f32 to vector<128x1xf32>
      %add3A_405 = arith.addf %sqrt3A, %add3A_404 : vector<128x1xf32>
      %swap3A_406 = arith.constant 0 : index
      %swap3A_407 = arith.constant 0 : index
      %swap3A_408 = vector.load %arg11[%swap3A_406, %swap3A_407] : memref<128x1xf32, #tpu.memory_space<vmem>>, vector<128x1xf32>
      tpu.vector_store %arg11[%swap3A_406, %swap3A_407], %add3A_405 {strides = array<i32>} : memref<128x1xf32, #tpu.memory_space<vmem>>, vector<128x1xf32>,
      %broadcast_in_dim3A_409 = arith.constant -3.000000e+38 : f32
      %broadcast_in_dim3A_410 = vector.broadcast %broadcast_in_dim3A_409 : f32 to vector<128x8xf32>
      %swap3A_411 = arith.constant 0 : index
      %swap3A_412 = arith.constant 0 : index
      %swap3A_413 = vector.load %arg12[%swap3A_411, %swap3A_412] : memref<128x8xf32, #tpu.memory_space<vmem>>, vector<128x8xf32>
      tpu.vector_store %arg12[%swap3A_411, %swap3A_412], %broadcast_in_dim3A_410 {strides = array<i32>} : memref<128x8xf32, #tpu.memory_space<vmem>>, vector<128x8xf32>,
      %broadcast_in_dim3A_414 = arith.constant 0 : i32
      %broadcast_in_dim3A_415 = vector.broadcast %broadcast_in_dim3A_414 : i32 to vector<128x8xi32>
      %swap3A_416 = arith.constant 0 : index
      %swap3A_417 = arith.constant 0 : index
      %swap3A_418 = vector.load %arg13[%swap3A_416, %swap3A_417] : memref<128x8xi32, #tpu.memory_space<vmem>>, vector<128x8xi32>
      tpu.vector_store %arg13[%swap3A_416, %swap3A_417], %broadcast_in_dim3A_415 {strides = array<i32>} : memref<128x8xi32, #tpu.memory_space<vmem>>, vector<128x8xi32>,
    } else {
    }
    %get3A = arith.constant 0 : index
    %get3A_9 = arith.constant 0 : index
    %get3A_10 = vector.load %arg8[%get3A, %get3A_9] : memref<128x2304xf32, #tpu.memory_space<vmem>>, vector<128x2304xf32>
    %mul3A = arith.constant 768 : i32
    %mul3A_11 = arith.muli %arg2, %mul3A : i32
    %get3A_12 = arith.index_cast %mul3A_11 : i32 to index
    %get3A_13 = arith.constant 0 : index
    %get3A_14 = vector.load %arg7[%get3A_12, %get3A_13] : memref<2304x2304xf32, #tpu.memory_space<vmem>>, vector<768x2304xf32>
    %dot_general3A = arith.constant dense<0.000000e+00> : vector<128x768xf32>
    %dot_general3A_15 = tpu.matmul %get3A_10, %get3A_14, %dot_general3A {dimension_numbers = #tpu.dot_dimension_numbers<[1], [1], [0], [0], [0, 0, 1, 0], [], []>, transpose_lhs_hint = false} : vector<128x2304xf32>, vector<768x2304xf32>, vector<128x768xf32> -> vector<128x768xf32>
    %mul3A_16 = arith.constant 768 : i32
    %mul3A_17 = arith.muli %arg2, %mul3A_16 : i32
    %iota3A = tpu.iota {dimensions = array<i32: 1>} : vector<128x768xi32>
    %add3A = vector.broadcast %mul3A_17 : i32 to vector<128x768xi32>
    %add3A_18 = arith.addi %add3A, %iota3A : vector<128x768xi32>
    %jit3A = arith.constant 48 : i32
    %eq3A_19 = arith.constant 0 : i32
    %eq3A_20 = arith.cmpi eq, %jit3A, %eq3A_19 : i32
    %jit3A_21 = arith.constant 1 : i32
    %select_n3A = arith.select %eq3A_20, %jit3A_21, %jit3A : i32
    %rem3A = vector.broadcast %select_n3A : i32 to vector<128x768xi32>
    %rem3A_22 = arith.remsi %add3A_18, %rem3A : vector<128x768xi32>
    %ne3A = arith.constant 0 : i32
    %ne3A_23 = vector.broadcast %ne3A : i32 to vector<128x768xi32>
    %ne3A_24 = arith.cmpi ne, %rem3A_22, %ne3A_23 : vector<128x768xi32>
    %lt3A = arith.constant 0 : i32
    %lt3A_25 = vector.broadcast %lt3A : i32 to vector<128x768xi32>
    %lt3A_26 = arith.cmpi slt, %rem3A_22, %lt3A_25 : vector<128x768xi32>
    %lt3A_27 = arith.constant 0 : i32
    %lt3A_28 = arith.cmpi slt, %select_n3A, %lt3A_27 : i32
    %ne3A_29 = vector.broadcast %lt3A_28 : i1 to vector<128x768xi1>
    %ne3A_30 = vector.broadcast %ne3A_29 : vector<128x768xi1> to vector<128x768xi1>
    %ne3A_31 = arith.xori %lt3A_26, %ne3A_30 : vector<128x768xi1>
    %and3A_32 = arith.andi %ne3A_31, %ne3A_24 : vector<128x768xi1>
    %add3A_33 = vector.broadcast %select_n3A : i32 to vector<128x768xi32>
    %add3A_34 = arith.addi %rem3A_22, %add3A_33 : vector<128x768xi32>
    %select_n3A_35 = arith.select %and3A_32, %add3A_34, %rem3A_22 : vector<128x768xi1>, vector<128x768xi32>
    %ge3A = arith.constant 46 : i32
    %ge3A_36 = vector.broadcast %ge3A : i32 to vector<128x768xi32>
    %ge3A_37 = arith.cmpi sge, %select_n3A_35, %ge3A_36 : vector<128x768xi32>
    %ge3A_38 = arith.constant 2208 : i32
    %ge3A_39 = vector.broadcast %ge3A_38 : i32 to vector<128x768xi32>
    %ge3A_40 = arith.cmpi sge, %add3A_18, %ge3A_39 : vector<128x768xi32>
    %or3A = arith.ori %ge3A_37, %ge3A_40 : vector<128x768xi1>
    %jit3A_41 = arith.constant -1.000000e+30 : f32
    %broadcast_in_dim3A = vector.broadcast %jit3A_41 : f32 to vector<128x768xf32>
    %select_n3A_42 = arith.select %or3A, %broadcast_in_dim3A, %dot_general3A_15 : vector<128x768xi1>, vector<128x768xf32>
    %reduce_max3A = arith.constant dense<0xFF800000> : vector<128xf32>
    %reduce_max3A_43 = vector.multi_reduction <maximumf>, %select_n3A_42, %reduce_max3A [1] : vector<128x768xf32> to vector<128xf32>
    %broadcast_in_dim3A_44 = vector.shape_cast %reduce_max3A_43 : vector<128xf32> to vector<128x1xf32>
    %ge3A_45 = vector.broadcast %broadcast_in_dim3A_44 : vector<128x1xf32> to vector<128x768xf32>
    %ge3A_46 = arith.cmpf oge, %select_n3A_42, %ge3A_45 : vector<128x768xf32>
    %jit3A_47 = arith.constant 1073741824 : i32
    %broadcast_in_dim3A_48 = vector.broadcast %jit3A_47 : i32 to vector<128x768xi32>
    %select_n3A_49 = arith.select %ge3A_46, %add3A_18, %broadcast_in_dim3A_48 : vector<128x768xi1>, vector<128x768xi32>
    %reduce_min3A = arith.constant dense<2147483647> : vector<128xi32>
    %reduce_min3A_50 = vector.multi_reduction <minsi>, %select_n3A_49, %reduce_min3A [1] : vector<128x768xi32> to vector<128xi32>
    %broadcast_in_dim3A_51 = vector.shape_cast %reduce_min3A_50 : vector<128xi32> to vector<128x1xi32>
    %eq3A_52 = vector.broadcast %broadcast_in_dim3A_51 : vector<128x1xi32> to vector<128x768xi32>
    %eq3A_53 = arith.cmpi eq, %add3A_18, %eq3A_52 : vector<128x768xi32>
    %jit3A_54 = arith.constant -1.000000e+30 : f32
    %broadcast_in_dim3A_55 = vector.broadcast %jit3A_54 : f32 to vector<128x768xf32>
    %select_n3A_56 = arith.select %eq3A_53, %broadcast_in_dim3A_55, %select_n3A_42 : vector<128x768xi1>, vector<128x768xf32>
    %get3A_57 = arith.constant 0 : index
    %get3A_58 = arith.constant 0 : index
    %get3A_59 = vector.load %arg12[%get3A_57, %get3A_58] : memref<128x8xf32, #tpu.memory_space<vmem>>, vector<128x1xf32>
    %get3A_60 = arith.constant 0 : index
    %get3A_61 = arith.constant 1 : index
    %get3A_62 = vector.load %arg12[%get3A_60, %get3A_61] : memref<128x8xf32, #tpu.memory_space<vmem>>, vector<128x1xf32>
    %get3A_63 = arith.constant 0 : index
    %get3A_64 = arith.constant 2 : index
    %get3A_65 = vector.load %arg12[%get3A_63, %get3A_64] : memref<128x8xf32, #tpu.memory_space<vmem>>, vector<128x1xf32>
    %get3A_66 = arith.constant 0 : index
    %get3A_67 = arith.constant 0 : index
    %get3A_68 = vector.load %arg13[%get3A_66, %get3A_67] : memref<128x8xi32, #tpu.memory_space<vmem>>, vector<128x1xi32>
    %get3A_69 = arith.constant 0 : index
    %get3A_70 = arith.constant 1 : index
    %get3A_71 = vector.load %arg13[%get3A_69, %get3A_70] : memref<128x8xi32, #tpu.memory_space<vmem>>, vector<128x1xi32>
    %get3A_72 = arith.constant 0 : index
    %get3A_73 = arith.constant 2 : index
    %get3A_74 = vector.load %arg13[%get3A_72, %get3A_73] : memref<128x8xi32, #tpu.memory_space<vmem>>, vector<128x1xi32>
    %gt3A = arith.cmpf ogt, %broadcast_in_dim3A_44, %get3A_59 : vector<128x1xf32>
    %gt3A_75 = arith.cmpf ogt, %broadcast_in_dim3A_44, %get3A_62 : vector<128x1xf32>
    %gt3A_76 = arith.cmpf ogt, %broadcast_in_dim3A_44, %get3A_65 : vector<128x1xf32>
    %select_n3A_77 = arith.select %gt3A_76, %broadcast_in_dim3A_44, %get3A_65 : vector<128x1xi1>, vector<128x1xf32>
    %select_n3A_78 = arith.select %gt3A_75, %get3A_62, %select_n3A_77 : vector<128x1xi1>, vector<128x1xf32>
    %swap3A = arith.constant 0 : index
    %swap3A_79 = arith.constant 2 : index
    %swap3A_80 = vector.load %arg12[%swap3A, %swap3A_79] : memref<128x8xf32, #tpu.memory_space<vmem>>, vector<128x1xf32>
    tpu.vector_store %arg12[%swap3A, %swap3A_79], %select_n3A_78 {strides = array<i32>} : memref<128x8xf32, #tpu.memory_space<vmem>>, vector<128x1xf32>,
    %select_n3A_81 = arith.select %gt3A_76, %broadcast_in_dim3A_51, %get3A_74 : vector<128x1xi1>, vector<128x1xi32>
    %select_n3A_82 = arith.select %gt3A_75, %get3A_71, %select_n3A_81 : vector<128x1xi1>, vector<128x1xi32>
    %swap3A_83 = arith.constant 0 : index
    %swap3A_84 = arith.constant 2 : index
    %swap3A_85 = vector.load %arg13[%swap3A_83, %swap3A_84] : memref<128x8xi32, #tpu.memory_space<vmem>>, vector<128x1xi32>
    tpu.vector_store %arg13[%swap3A_83, %swap3A_84], %select_n3A_82 {strides = array<i32>} : memref<128x8xi32, #tpu.memory_space<vmem>>, vector<128x1xi32>,
    %select_n3A_86 = arith.select %gt3A_75, %broadcast_in_dim3A_44, %get3A_62 : vector<128x1xi1>, vector<128x1xf32>
    %select_n3A_87 = arith.select %gt3A, %get3A_59, %select_n3A_86 : vector<128x1xi1>, vector<128x1xf32>
    %swap3A_88 = arith.constant 0 : index
    %swap3A_89 = arith.constant 1 : index
    %swap3A_90 = vector.load %arg12[%swap3A_88, %swap3A_89] : memref<128x8xf32, #tpu.memory_space<vmem>>, vector<128x1xf32>
    tpu.vector_store %arg12[%swap3A_88, %swap3A_89], %select_n3A_87 {strides = array<i32>} : memref<128x8xf32, #tpu.memory_space<vmem>>, vector<128x1xf32>,
    %select_n3A_91 = arith.select %gt3A_75, %broadcast_in_dim3A_51, %get3A_71 : vector<128x1xi1>, vector<128x1xi32>
    %select_n3A_92 = arith.select %gt3A, %get3A_68, %select_n3A_91 : vector<128x1xi1>, vector<128x1xi32>
    %swap3A_93 = arith.constant 0 : index
    %swap3A_94 = arith.constant 1 : index
    %swap3A_95 = vector.load %arg13[%swap3A_93, %swap3A_94] : memref<128x8xi32, #tpu.memory_space<vmem>>, vector<128x1xi32>
    tpu.vector_store %arg13[%swap3A_93, %swap3A_94], %select_n3A_92 {strides = array<i32>} : memref<128x8xi32, #tpu.memory_space<vmem>>, vector<128x1xi32>,
    %select_n3A_96 = arith.select %gt3A, %broadcast_in_dim3A_44, %get3A_59 : vector<128x1xi1>, vector<128x1xf32>
    %swap3A_97 = arith.constant 0 : index
    %swap3A_98 = arith.constant 0 : index
    %swap3A_99 = vector.load %arg12[%swap3A_97, %swap3A_98] : memref<128x8xf32, #tpu.memory_space<vmem>>, vector<128x1xf32>
    tpu.vector_store %arg12[%swap3A_97, %swap3A_98], %select_n3A_96 {strides = array<i32>} : memref<128x8xf32, #tpu.memory_space<vmem>>, vector<128x1xf32>,
    %select_n3A_100 = arith.select %gt3A, %broadcast_in_dim3A_51, %get3A_68 : vector<128x1xi1>, vector<128x1xi32>
    %swap3A_101 = arith.constant 0 : index
    %swap3A_102 = arith.constant 0 : index
    %swap3A_103 = vector.load %arg13[%swap3A_101, %swap3A_102] : memref<128x8xi32, #tpu.memory_space<vmem>>, vector<128x1xi32>
    tpu.vector_store %arg13[%swap3A_101, %swap3A_102], %select_n3A_100 {strides = array<i32>} : memref<128x8xi32, #tpu.memory_space<vmem>>, vector<128x1xi32>,
    %reduce_max3A_104 = arith.constant dense<0xFF800000> : vector<128xf32>
    %reduce_max3A_105 = vector.multi_reduction <maximumf>, %select_n3A_56, %reduce_max3A_104 [1] : vector<128x768xf32> to vector<128xf32>
    %broadcast_in_dim3A_106 = vector.shape_cast %reduce_max3A_105 : vector<128xf32> to vector<128x1xf32>
    %ge3A_107 = vector.broadcast %broadcast_in_dim3A_106 : vector<128x1xf32> to vector<128x768xf32>
    %ge3A_108 = arith.cmpf oge, %select_n3A_56, %ge3A_107 : vector<128x768xf32>
    %jit3A_109 = arith.constant 1073741824 : i32
    %broadcast_in_dim3A_110 = vector.broadcast %jit3A_109 : i32 to vector<128x768xi32>
    %select_n3A_111 = arith.select %ge3A_108, %add3A_18, %broadcast_in_dim3A_110 : vector<128x768xi1>, vector<128x768xi32>
    %reduce_min3A_112 = arith.constant dense<2147483647> : vector<128xi32>
    %reduce_min3A_113 = vector.multi_reduction <minsi>, %select_n3A_111, %reduce_min3A_112 [1] : vector<128x768xi32> to vector<128xi32>
    %broadcast_in_dim3A_114 = vector.shape_cast %reduce_min3A_113 : vector<128xi32> to vector<128x1xi32>
    %eq3A_115 = vector.broadcast %broadcast_in_dim3A_114 : vector<128x1xi32> to vector<128x768xi32>
    %eq3A_116 = arith.cmpi eq, %add3A_18, %eq3A_115 : vector<128x768xi32>
    %jit3A_117 = arith.constant -1.000000e+30 : f32
    %broadcast_in_dim3A_118 = vector.broadcast %jit3A_117 : f32 to vector<128x768xf32>
    %select_n3A_119 = arith.select %eq3A_116, %broadcast_in_dim3A_118, %select_n3A_56 : vector<128x768xi1>, vector<128x768xf32>
    %get3A_120 = arith.constant 0 : index
    %get3A_121 = arith.constant 0 : index
    %get3A_122 = vector.load %arg12[%get3A_120, %get3A_121] : memref<128x8xf32, #tpu.memory_space<vmem>>, vector<128x1xf32>
    %get3A_123 = arith.constant 0 : index
    %get3A_124 = arith.constant 1 : index
    %get3A_125 = vector.load %arg12[%get3A_123, %get3A_124] : memref<128x8xf32, #tpu.memory_space<vmem>>, vector<128x1xf32>
    %get3A_126 = arith.constant 0 : index
    %get3A_127 = arith.constant 2 : index
    %get3A_128 = vector.load %arg12[%get3A_126, %get3A_127] : memref<128x8xf32, #tpu.memory_space<vmem>>, vector<128x1xf32>
    %get3A_129 = arith.constant 0 : index
    %get3A_130 = arith.constant 0 : index
    %get3A_131 = vector.load %arg13[%get3A_129, %get3A_130] : memref<128x8xi32, #tpu.memory_space<vmem>>, vector<128x1xi32>
    %get3A_132 = arith.constant 0 : index
    %get3A_133 = arith.constant 1 : index
    %get3A_134 = vector.load %arg13[%get3A_132, %get3A_133] : memref<128x8xi32, #tpu.memory_space<vmem>>, vector<128x1xi32>
    %get3A_135 = arith.constant 0 : index
    %get3A_136 = arith.constant 2 : index
    %get3A_137 = vector.load %arg13[%get3A_135, %get3A_136] : memref<128x8xi32, #tpu.memory_space<vmem>>, vector<128x1xi32>
    %gt3A_138 = arith.cmpf ogt, %broadcast_in_dim3A_106, %get3A_122 : vector<128x1xf32>
    %gt3A_139 = arith.cmpf ogt, %broadcast_in_dim3A_106, %get3A_125 : vector<128x1xf32>
    %gt3A_140 = arith.cmpf ogt, %broadcast_in_dim3A_106, %get3A_128 : vector<128x1xf32>
    %select_n3A_141 = arith.select %gt3A_140, %broadcast_in_dim3A_106, %get3A_128 : vector<128x1xi1>, vector<128x1xf32>
    %select_n3A_142 = arith.select %gt3A_139, %get3A_125, %select_n3A_141 : vector<128x1xi1>, vector<128x1xf32>
    %swap3A_143 = arith.constant 0 : index
    %swap3A_144 = arith.constant 2 : index
    %swap3A_145 = vector.load %arg12[%swap3A_143, %swap3A_144] : memref<128x8xf32, #tpu.memory_space<vmem>>, vector<128x1xf32>
    tpu.vector_store %arg12[%swap3A_143, %swap3A_144], %select_n3A_142 {strides = array<i32>} : memref<128x8xf32, #tpu.memory_space<vmem>>, vector<128x1xf32>,
    %select_n3A_146 = arith.select %gt3A_140, %broadcast_in_dim3A_114, %get3A_137 : vector<128x1xi1>, vector<128x1xi32>
    %select_n3A_147 = arith.select %gt3A_139, %get3A_134, %select_n3A_146 : vector<128x1xi1>, vector<128x1xi32>
    %swap3A_148 = arith.constant 0 : index
    %swap3A_149 = arith.constant 2 : index
    %swap3A_150 = vector.load %arg13[%swap3A_148, %swap3A_149] : memref<128x8xi32, #tpu.memory_space<vmem>>, vector<128x1xi32>
    tpu.vector_store %arg13[%swap3A_148, %swap3A_149], %select_n3A_147 {strides = array<i32>} : memref<128x8xi32, #tpu.memory_space<vmem>>, vector<128x1xi32>,
    %select_n3A_151 = arith.select %gt3A_139, %broadcast_in_dim3A_106, %get3A_125 : vector<128x1xi1>, vector<128x1xf32>
    %select_n3A_152 = arith.select %gt3A_138, %get3A_122, %select_n3A_151 : vector<128x1xi1>, vector<128x1xf32>
    %swap3A_153 = arith.constant 0 : index
    %swap3A_154 = arith.constant 1 : index
    %swap3A_155 = vector.load %arg12[%swap3A_153, %swap3A_154] : memref<128x8xf32, #tpu.memory_space<vmem>>, vector<128x1xf32>
    tpu.vector_store %arg12[%swap3A_153, %swap3A_154], %select_n3A_152 {strides = array<i32>} : memref<128x8xf32, #tpu.memory_space<vmem>>, vector<128x1xf32>,
    %select_n3A_156 = arith.select %gt3A_139, %broadcast_in_dim3A_114, %get3A_134 : vector<128x1xi1>, vector<128x1xi32>
    %select_n3A_157 = arith.select %gt3A_138, %get3A_131, %select_n3A_156 : vector<128x1xi1>, vector<128x1xi32>
    %swap3A_158 = arith.constant 0 : index
    %swap3A_159 = arith.constant 1 : index
    %swap3A_160 = vector.load %arg13[%swap3A_158, %swap3A_159] : memref<128x8xi32, #tpu.memory_space<vmem>>, vector<128x1xi32>
    tpu.vector_store %arg13[%swap3A_158, %swap3A_159], %select_n3A_157 {strides = array<i32>} : memref<128x8xi32, #tpu.memory_space<vmem>>, vector<128x1xi32>,
    %select_n3A_161 = arith.select %gt3A_138, %broadcast_in_dim3A_106, %get3A_122 : vector<128x1xi1>, vector<128x1xf32>
    %swap3A_162 = arith.constant 0 : index
    %swap3A_163 = arith.constant 0 : index
    %swap3A_164 = vector.load %arg12[%swap3A_162, %swap3A_163] : memref<128x8xf32, #tpu.memory_space<vmem>>, vector<128x1xf32>
    tpu.vector_store %arg12[%swap3A_162, %swap3A_163], %select_n3A_161 {strides = array<i32>} : memref<128x8xf32, #tpu.memory_space<vmem>>, vector<128x1xf32>,
    %select_n3A_165 = arith.select %gt3A_138, %broadcast_in_dim3A_114, %get3A_131 : vector<128x1xi1>, vector<128x1xi32>
    %swap3A_166 = arith.constant 0 : index
    %swap3A_167 = arith.constant 0 : index
    %swap3A_168 = vector.load %arg13[%swap3A_166, %swap3A_167] : memref<128x8xi32, #tpu.memory_space<vmem>>, vector<128x1xi32>
    tpu.vector_store %arg13[%swap3A_166, %swap3A_167], %select_n3A_165 {strides = array<i32>} : memref<128x8xi32, #tpu.memory_space<vmem>>, vector<128x1xi32>,
    %reduce_max3A_169 = arith.constant dense<0xFF800000> : vector<128xf32>
    %reduce_max3A_170 = vector.multi_reduction <maximumf>, %select_n3A_119, %reduce_max3A_169 [1] : vector<128x768xf32> to vector<128xf32>
    %broadcast_in_dim3A_171 = vector.shape_cast %reduce_max3A_170 : vector<128xf32> to vector<128x1xf32>
    %ge3A_172 = vector.broadcast %broadcast_in_dim3A_171 : vector<128x1xf32> to vector<128x768xf32>
    %ge3A_173 = arith.cmpf oge, %select_n3A_119, %ge3A_172 : vector<128x768xf32>
    %jit3A_174 = arith.constant 1073741824 : i32
    %broadcast_in_dim3A_175 = vector.broadcast %jit3A_174 : i32 to vector<128x768xi32>
    %select_n3A_176 = arith.select %ge3A_173, %add3A_18, %broadcast_in_dim3A_175 : vector<128x768xi1>, vector<128x768xi32>
    %reduce_min3A_177 = arith.constant dense<2147483647> : vector<128xi32>
    %reduce_min3A_178 = vector.multi_reduction <minsi>, %select_n3A_176, %reduce_min3A_177 [1] : vector<128x768xi32> to vector<128xi32>
    %broadcast_in_dim3A_179 = vector.shape_cast %reduce_min3A_178 : vector<128xi32> to vector<128x1xi32>
    %get3A_180 = arith.constant 0 : index
    %get3A_181 = arith.constant 0 : index
    %get3A_182 = vector.load %arg12[%get3A_180, %get3A_181] : memref<128x8xf32, #tpu.memory_space<vmem>>, vector<128x1xf32>
    %get3A_183 = arith.constant 0 : index
    %get3A_184 = arith.constant 1 : index
    %get3A_185 = vector.load %arg12[%get3A_183, %get3A_184] : memref<128x8xf32, #tpu.memory_space<vmem>>, vector<128x1xf32>
    %get3A_186 = arith.constant 0 : index
    %get3A_187 = arith.constant 2 : index
    %get3A_188 = vector.load %arg12[%get3A_186, %get3A_187] : memref<128x8xf32, #tpu.memory_space<vmem>>, vector<128x1xf32>
    %get3A_189 = arith.constant 0 : index
    %get3A_190 = arith.constant 0 : index
    %get3A_191 = vector.load %arg13[%get3A_189, %get3A_190] : memref<128x8xi32, #tpu.memory_space<vmem>>, vector<128x1xi32>
    %get3A_192 = arith.constant 0 : index
    %get3A_193 = arith.constant 1 : index
    %get3A_194 = vector.load %arg13[%get3A_192, %get3A_193] : memref<128x8xi32, #tpu.memory_space<vmem>>, vector<128x1xi32>
    %get3A_195 = arith.constant 0 : index
    %get3A_196 = arith.constant 2 : index
    %get3A_197 = vector.load %arg13[%get3A_195, %get3A_196] : memref<128x8xi32, #tpu.memory_space<vmem>>, vector<128x1xi32>
    %gt3A_198 = arith.cmpf ogt, %broadcast_in_dim3A_171, %get3A_182 : vector<128x1xf32>
    %gt3A_199 = arith.cmpf ogt, %broadcast_in_dim3A_171, %get3A_185 : vector<128x1xf32>
    %gt3A_200 = arith.cmpf ogt, %broadcast_in_dim3A_171, %get3A_188 : vector<128x1xf32>
    %select_n3A_201 = arith.select %gt3A_200, %broadcast_in_dim3A_171, %get3A_188 : vector<128x1xi1>, vector<128x1xf32>
    %select_n3A_202 = arith.select %gt3A_199, %get3A_185, %select_n3A_201 : vector<128x1xi1>, vector<128x1xf32>
    %swap3A_203 = arith.constant 0 : index
    %swap3A_204 = arith.constant 2 : index
    %swap3A_205 = vector.load %arg12[%swap3A_203, %swap3A_204] : memref<128x8xf32, #tpu.memory_space<vmem>>, vector<128x1xf32>
    tpu.vector_store %arg12[%swap3A_203, %swap3A_204], %select_n3A_202 {strides = array<i32>} : memref<128x8xf32, #tpu.memory_space<vmem>>, vector<128x1xf32>,
    %select_n3A_206 = arith.select %gt3A_200, %broadcast_in_dim3A_179, %get3A_197 : vector<128x1xi1>, vector<128x1xi32>
    %select_n3A_207 = arith.select %gt3A_199, %get3A_194, %select_n3A_206 : vector<128x1xi1>, vector<128x1xi32>
    %swap3A_208 = arith.constant 0 : index
    %swap3A_209 = arith.constant 2 : index
    %swap3A_210 = vector.load %arg13[%swap3A_208, %swap3A_209] : memref<128x8xi32, #tpu.memory_space<vmem>>, vector<128x1xi32>
    tpu.vector_store %arg13[%swap3A_208, %swap3A_209], %select_n3A_207 {strides = array<i32>} : memref<128x8xi32, #tpu.memory_space<vmem>>, vector<128x1xi32>,
    %select_n3A_211 = arith.select %gt3A_199, %broadcast_in_dim3A_171, %get3A_185 : vector<128x1xi1>, vector<128x1xf32>
    %select_n3A_212 = arith.select %gt3A_198, %get3A_182, %select_n3A_211 : vector<128x1xi1>, vector<128x1xf32>
    %swap3A_213 = arith.constant 0 : index
    %swap3A_214 = arith.constant 1 : index
    %swap3A_215 = vector.load %arg12[%swap3A_213, %swap3A_214] : memref<128x8xf32, #tpu.memory_space<vmem>>, vector<128x1xf32>
    tpu.vector_store %arg12[%swap3A_213, %swap3A_214], %select_n3A_212 {strides = array<i32>} : memref<128x8xf32, #tpu.memory_space<vmem>>, vector<128x1xf32>,
    %select_n3A_216 = arith.select %gt3A_199, %broadcast_in_dim3A_179, %get3A_194 : vector<128x1xi1>, vector<128x1xi32>
    %select_n3A_217 = arith.select %gt3A_198, %get3A_191, %select_n3A_216 : vector<128x1xi1>, vector<128x1xi32>
    %swap3A_218 = arith.constant 0 : index
    %swap3A_219 = arith.constant 1 : index
    %swap3A_220 = vector.load %arg13[%swap3A_218, %swap3A_219] : memref<128x8xi32, #tpu.memory_space<vmem>>, vector<128x1xi32>
    tpu.vector_store %arg13[%swap3A_218, %swap3A_219], %select_n3A_217 {strides = array<i32>} : memref<128x8xi32, #tpu.memory_space<vmem>>, vector<128x1xi32>,
    %select_n3A_221 = arith.select %gt3A_198, %broadcast_in_dim3A_171, %get3A_182 : vector<128x1xi1>, vector<128x1xf32>
    %swap3A_222 = arith.constant 0 : index
    %swap3A_223 = arith.constant 0 : index
    %swap3A_224 = vector.load %arg12[%swap3A_222, %swap3A_223] : memref<128x8xf32, #tpu.memory_space<vmem>>, vector<128x1xf32>
    tpu.vector_store %arg12[%swap3A_222, %swap3A_223], %select_n3A_221 {strides = array<i32>} : memref<128x8xf32, #tpu.memory_space<vmem>>, vector<128x1xf32>,
    %select_n3A_225 = arith.select %gt3A_198, %broadcast_in_dim3A_179, %get3A_191 : vector<128x1xi1>, vector<128x1xi32>
    %swap3A_226 = arith.constant 0 : index
    %swap3A_227 = arith.constant 0 : index
    %swap3A_228 = vector.load %arg13[%swap3A_226, %swap3A_227] : memref<128x8xi32, #tpu.memory_space<vmem>>, vector<128x1xi32>
    tpu.vector_store %arg13[%swap3A_226, %swap3A_227], %select_n3A_225 {strides = array<i32>} : memref<128x8xi32, #tpu.memory_space<vmem>>, vector<128x1xi32>,
    %eq3A_229 = arith.constant 2 : i32
    %eq3A_230 = arith.cmpi eq, %arg2, %eq3A_229 : i32
    %convert_element_type3A_231 = arith.extui %eq3A_230 : i1 to i32
    %cond3A_232 = arith.constant 0 : i32
    %cond3A_233 = arith.cmpi ne, %convert_element_type3A_231, %cond3A_232 : i32
    scf.if %cond3A_233 {
      %get3A_234 = arith.constant 0 : index
      %get3A_235 = arith.constant 0 : index
      %get3A_236 = vector.load %arg12[%get3A_234, %get3A_235] : memref<128x8xf32, #tpu.memory_space<vmem>>, vector<128x8xf32>
      %get3A_237 = arith.constant 0 : index
      %get3A_238 = arith.constant 0 : index
      %get3A_239 = vector.load %arg11[%get3A_237, %get3A_238] : memref<128x1xf32, #tpu.memory_space<vmem>>, vector<128x1xf32>
      %div3A = vector.broadcast %get3A_239 : vector<128x1xf32> to vector<128x8xf32>
      %div3A_240 = arith.divf %get3A_236, %div3A : vector<128x8xf32>
      %swap3A_241 = arith.constant 0 : index
      %swap3A_242 = arith.constant 0 : index
      %swap3A_243 = arith.constant 0 : index
      %swap3A_244 = vector.load %arg5[%swap3A_241, %swap3A_242, %swap3A_243] : memref<1x128x8xf32, #tpu.memory_space<vmem>>, vector<1x128x8xf32>
      %swap3A_245 = vector.shape_cast %swap3A_244 : vector<1x128x8xf32> to vector<128x8xf32>
      %swap3A_246 = vector.shape_cast %div3A_240 : vector<128x8xf32> to vector<1x128x8xf32>
      tpu.vector_store %arg5[%swap3A_241, %swap3A_242, %swap3A_243], %swap3A_246 {strides = array<i32>} : memref<1x128x8xf32, #tpu.memory_space<vmem>>, vector<1x128x8xf32>,
      %get3A_247 = arith.constant 0 : index
      %get3A_248 = arith.constant 0 : index
      %get3A_249 = vector.load %arg13[%get3A_247, %get3A_248] : memref<128x8xi32, #tpu.memory_space<vmem>>, vector<128x8xi32>
      %swap3A_250 = arith.constant 0 : index
      %swap3A_251 = arith.constant 0 : index
      %swap3A_252 = arith.constant 0 : index
      %swap3A_253 = vector.load %arg6[%swap3A_250, %swap3A_251, %swap3A_252] : memref<1x128x8xi32, #tpu.memory_space<vmem>>, vector<1x128x8xi32>
      %swap3A_254 = vector.shape_cast %swap3A_253 : vector<1x128x8xi32> to vector<128x8xi32>
      %swap3A_255 = vector.shape_cast %get3A_249 : vector<128x8xi32> to vector<1x128x8xi32>
      tpu.vector_store %arg6[%swap3A_250, %swap3A_251, %swap3A_252], %swap3A_255 {strides = array<i32>} : memref<1x128x8xi32, #tpu.memory_space<vmem>>, vector<1x128x8xi32>,
    } else {
    }
    return
  }
  func.func @transform_0(%arg0: i32, %arg1: i32, %arg2: i32) -> (i32, i32, i32, i32) {
    %c0_i32 = arith.constant 0 : i32
    %c0_i32_0 = arith.constant 0 : i32
    %c0_i32_1 = arith.constant 0 : i32
    %c0_i32_2 = arith.constant 0 : i32
    return %arg0, %c0_i32, %c0_i32_0, %c0_i32_1 : i32, i32, i32, i32
  }
  func.func @transform_1(%arg0: i32, %arg1: i32, %arg2: i32) -> (i32, i32, i32, i32) {
    %c0_i32 = arith.constant 0 : i32
    %c0_i32_0 = arith.constant 0 : i32
    %c0_i32_1 = arith.constant 0 : i32
    %c0_i32_2 = arith.constant 0 : i32
    return %arg0, %c0_i32, %c0_i32_0, %c0_i32_1 : i32, i32, i32, i32
  }
  func.func @transform_2(%arg0: i32, %arg1: i32, %arg2: i32) -> (i32, i32, i32) {
    %c0_i32 = arith.constant 0 : i32
    %c0_i32_0 = arith.constant 0 : i32
    return %arg0, %arg1, %c0_i32 : i32, i32, i32
  }
  func.func @transform_3(%arg0: i32, %arg1: i32, %arg2: i32) -> (i32, i32, i32) {
    %c0_i32 = arith.constant 0 : i32
    %c0_i32_0 = arith.constant 0 : i32
    return %arg0, %arg1, %c0_i32 : i32, i32, i32
  }
}

</mosaic_0001>

<sc_bundles>
// kernel: sparse-core-data-format-call.1.cloned.1.call-start
scs
called_computation.1_lowered:
.L_overlay_start_0:
0x0: {  	s1 =	sld [smem:$0x3FD9]  }
0x1: {  	s2 =	sld [smem:$0x3FFE];
	_ =	sdelay $0x1  }
0x2: {  	s3 =	srdreg.scid  }
0x3: {  	s0 =	sand.u32 $0x1, s3  }
0x4: {  	s17 =	sshll.u32 s0, $0xA;
	s1 =	sadd.s32 s2, s1  }
0x5: {  	s1 =	sadd.s32 s1, s17  }
0x6: {  	[smem:$0x3FBB] =	sst s1  }
0x7: {  	_ = 	snop  }
0x8: {  	(tm) =	ssettm $0x1  }
0x9: {  	s18 =	sld [smem:$0x3FFB];
	_ =	sdelay $0x3  }
0xa: {  	_ =	strace s18  }
0xb: {  	s1 =	sld [smem:$0x3FFC];
	_ =	sdelay $0x3  }
0xc: {  	_ =	strace s1  }
0xd: {  	s1 =	sld [smem:$0x3FFD];
	_ =	sdelay $0x3  }
0xe: {  	_ =	strace s1  }
0xf: {  	_ =	strace $0x8FFFFFFF  }
0x10: {  	s19 =	sld [smem:$0x3FDB];
	_ =	sdelay $0x1  }
0x11: {  	s20 =	simm.s32 $_scs_section_size  }
0x12: {  	s4 =	simm.s32 $_size__tile_overlayer_lowered;
	s5 =	simm.s32 $_tile_overlayer_lowered  }
0x13: {  	s23 =	simm.s32 $0x1BFF;
	s22 =	sshll.u32 s5, $0x1;
	s1 =	sadd.s32 s20, s19  }
0x14: {  	s6 =	simm.s32 $0x0;
	s21 =	sshll.u32 s4, $0x1;
	s4 =	sadd.s32 s22, s1  }
0x15: {  	[timem:s6], [sflag:s23] =	dma.local [hbm:s4], s21  }
0x16: {  	_ =	swait.ge [sflag:s23], s21  }
0x17: {  	s2 =	ssub.s32 $0x0, s21;
	[sflag:s23] =	ssyncset.done $0x0  }
0x18: {  	[sflag:s23] =	ssyncadd.s32 s2;
	_ =	sdelay $0x1  }
0x19: {  	s24 =	simm.s32 $0x1B8B  }
0x1a: {  	_ =	swait.ge [sflag:s24], $0x1  }
0x1b: {  	[sflag:s24] =	ssyncset.done $0x0  }
0x1c: {  	s26 =	simm.s32 $0x1B8E;
	s25 =	sld [smem:$0x3FFE];
	[sflag:s24] =	ssyncadd.s32 $0xFFFFFFFF  }
0x1d: {  	s27 =	simm.s32 $execute0_lowered;
	[smem:$0x3FD2] =	sst s26  }
0x1e: {  	s4 =	sshll.u32 s27, $0x1;
	_ =	strace $0x80000046;
	[dreg:$0x1] =	wrdreg $0xFFFFFFFF  }
0x1f: {  	s28 =	simm.s32 $_size_execute0_lowered;
	s1 =	sadd.s32 s1, s4;
	[dreg:$0x0] =	wrdreg $0x0  }
0x20: {  	s4 =	sshll.u32 s28, $0x1;
	[dreg:$0x2] =	wrdreg s1  }
0x21: {  	[dreg:$0x3] =	wrdreg s4  }
0x22: {  	[dreg:$0x4] =	wrdreg $0xC0  }
0x23: {  	_ =	task [dreg:s6], $0x5FFFF  }
0x24: {  	[dreg:$0x1] =	wrdreg $0xFFFFFFFF  }
0x25: {  	[dreg:$0x0] =	wrdreg $0x60  }
0x26: {  	[dreg:$0x2] =	wrdreg s25  }
0x27: {  	[dreg:$0x3] =	wrdreg $0x9  }
0x28: {  	_ =	task.clear_ibuf [dreg:s6], $0x4FFFF;
	_ =	strace $0x90000046  }
0x29: {  	s29 =	simm.s32 $0x9;
	_ =	strace $0x80000048  }
0x2a: {  	_ =	swait.ge [sflag:s29], $0x1  }
0x2b: {  	[sflag:s29] =	ssyncadd.s32 $0xFFFFFFFF  }
0x2c: {  	_ =	strace $0x90000048  }
0x2d: {  	_ =	sfence  }
0x2e: {  	s30 =	sld [smem:$0x0];
	_ =	sdelay $0x2  }
0x2f: {  	s31 =	sshll.u32 s3, $0xD;
	s3 =	sshrl.u32 s3, $0x2  }
0x30: {  	s2 =	sand.u32 $0x4000, s31;
	s1 =	sadd.s32 s3, s30  }
0x31: {  	s0 =	sor.u32 s2, s0;
	s1 =	sshll.u32 s1, $0x11  }
0x32: {  	s0 =	sor.u32 s1, s0  }
0x33: {  	s0 =	sadd.s32 $0x8F2B, s0  }
0x34: {  	[sflag:s0] =	ssyncadd.remote.s32 $0x1  }
0x35: {  	_ =	sfence.sel $0xFFFF  }
0x36: {  	[dreg:$0x0] =	wrdreg $0xFFFFFFFF;
	(pc) =	sbr.abs _section_cstart, $3  }
0x37: {  	[dreg:$0x1] =	wrdreg $0xFFFFFFFF  }
0x38: {  	_ =	task.clear_ibuf [dreg:s6], $0x2FFFF;
	_ =	strace $0x9FFFFFFF  }
0x39: {  	(tm) =	ssettm $0x7FFFFFFF  }
tec
execute0_lowered:
.L_overlay_start_1:
0x0: {  	(tag) =	ssettag $0x1  }
0x1: {  	s0 =	srdreg.scid  }
0x2: {  	s3 =	rddreg [dreg:$0x0];
	s1 =	stileid.u32  }
0x3: {  	s5 =	simm.s32 $0x1;
	s7 =	simm.s32 $0x2;
	s13 =	simm.s32 $0x0  }
0x4: {  	p0 =	por $0x0, $0x0;
	s14 =	simm.s32 $0x0;
	s12 =	simm.s32 $0x0  }
0x5: {  	s10 =	simm.s32 $0x0;
	s8 =	simm.s32 $0x0;
	s2 =	sshll.u32 s0, $0x4  }
.Ltmp0:
0x6: {  	s0 =	rddreg [dreg:$0x1];
	_ =	strace $0x80000047;
	(pc) =	sbr.rel .LBB1_1-.Ltmp0, $4  }
0x7: {  	s6 =	sshll.u32 s1, $0x7;
	s4 =	sand.u32 $0x10, s2;
	s2 =	sadd.s32 $0x5A00, s3  }
0x8: {  	s3 =	sadd.s32 $0x25DA00, s3;
	[sflag:s5] =	ssyncpa.u1 $0x0;
	s4 =	sor.u32 s1, s4  }
0x9: {  	s6 =	sand.u32 $0x80, s6;
	[sflag:s7] =	ssyncpa.u1 $0x0;
	s4 =	sshrl.u32 s4, $0x1  }
0xa: {  	s7 =	simm.s32 $0x800;
	s11 =	smov.u32 s6;
	s9 =	smov.u32 s4  }
.LBB1_5:
0xb: {  	s15 =	sadd.s32 $0x10, s9  }
0xc: {  	s12 =	simm.s32 $0x1;
	p2 =	sgt.s32 s15, $0x1F  }
0xd: {  	s12 =	simm.s32 @!p2 $0x0  }
0xe: {  	s16 =	sadd.s32 s12, s10  }
0xf: {  	s18 =	smov.u32 s11;
	s12 =	sadd.s32 $0x100, s11;
	p3 =	sgt.s32 s16, $0x18  }
0x10: {  	p1 =	slt.u32 s8, $0x2;
	s18 =	smov.u32 @p3 s12  }
0x11: {  	s8 =	sadd.s32 $0x1, s8;
	s15 =	smov.u32 @p2 s4;
	p2 =	sgt.s32 s18, $0xBF  }
0x12: {  	s18 =	smov.u32 @p2 s6;
	p2 =	sne.s32 s8, $0x34  }
.Ltmp1:
0x13: {  	s17 =	simm.s32 @!p1 $0x2;
	(pc) =	sbr.rel @!p2 .LBB1_6-.Ltmp1, $4  }
0x14: {  	s13 =	smov.u32 s9;
	_ =	swait.ge @!p1 [sflag:s17], $0x2000  }
0x15: {  	s14 =	smov.u32 s10;
	p0 =	por !p0, !p0;
	[sflag:s17] =	ssyncset.done @!p1 $0x0  }
0x16: {  	s9 =	smov.u32 s15;
	[sflag:s17] =	ssyncadd.s32 @!p1 $0xFFFFE000;
	s16 =	simm.s32 @p3 $0x0  }
0x17: {  	s12 =	smov.u32 s11;
	s10 =	smov.u32 s16;
	s11 =	smov.u32 s18  }
.LBB1_1:
0x18: {  	p1 =	sgt.u32 s8, $0x31;
	s15 =	smov.u32 s11  }
0x19: {  	s18 =	smov.u32 s10;
	p2 =	sgt.s32 @!p1 s11, $0x40;
	s16 =	sxor.u32 @!p1 $0xFFFFFFFF, s8  }
0x1a: {  	s17 =	sshra.s32 @!p1 s11, $0x1F;
	s19 =	sshra.s32 @!p1 s10, $0x1F;
	p2 =	por !p2, p1  }
0x1b: {  	s17 =	sand.u32 @!p1 s17, s11;
	s15 =	simm.s32 @p2 $0x40;
	p2 =	sgt.s32 @!p1 s10, $0x18  }
0x1c: {  	s19 =	sand.u32 @!p1 s19, s10;
	p2 =	por !p2, p1;
	s15 =	ssub.s32 @!p1 s15, s17  }
0x1d: {  	s18 =	simm.s32 @p2 $0x18;
	p2 =	sgt.s32 @!p1 s9, $0x1F;
	s15 =	sadd.s32 @!p1 $0xFFFFFFC0, s15  }
0x1e: {  	s17 =	ssub.s32 @!p1 s18, s19;
	p2 =	por !p2, p1;
	s19 =	smov.u32 s9  }
0x1f: {  	s18 =	sadd.s32 @!p1 $0xFFFFFFE8, s17;
	s19 =	simm.s32 @p2 $0x1F;
	p2 =	sgt.s32 @!p1 s15, $0x7F  }
0x20: {  	s15 =	sshll.u32 @!p1 s15, $0x6;
	p3 =	sgt.s32 @!p1 s18, $0x0;
	s18 =	sshra.s32 @!p1 s9, $0x1F  }
0x21: {  	s17 =	ssub.s32 @!p1 $0x19, s17;
	s15 =	ssub.s32 @!p1 $0x2000, s15;
	s18 =	sand.u32 @!p1 s18, s9  }
0x22: {  	p2 =	por !p2, p1;
	p3 =	por !p3, p1;
	s18 =	ssub.s32 @!p1 s19, s18  }
0x23: {  	s15 =	simm.s32 @!p2 $0x0;
	s17 =	simm.s32 @!p3 $0x0;
	s19 =	sadd.s32 @!p1 $0xFFFFFFE1, s18  }
0x24: {  	s16 =	sshll.u32 @!p1 s16, $0xD;
	s15 =	smul.u32 @!p1 s17, s15;
	p3 =	sgt.s32 @!p1 s19, $0x0  }
0x25: {  	s18 =	ssub.s32 @!p1 $0x20, s18;
	s17 =	smul.u32 @!p1 $0x3200, s11;
	p2 =	por !p3, p1  }
0x26: {  	s16 =	sand.u32 @!p1 $0x2000, s16;
	s19 =	sshll.u32 @!p1 s9, $0x4;
	s18 =	simm.s32 @!p2 $0x0  }
0x27: {  	s17 =	sadd.s32 @!p1 s2, s17;
	s15 =	smul.u32 @!p1 s18, s15;
	s18 =	sshll.u32 @!p1 s10, $0x9  }
0x28: {  	s19 =	sand.u32 @!p1 $0x1F0, s19;
	s17 =	sadd.s32 @!p1 s18, s17;
	s18 =	simm.s32 @!p1 $0x40  }
0x29: {  	s15 =	sand.u32 @!p1 $0x3FFFFFC0, s15;
	s17 =	sadd.s32 @!p1 s19, s17;
	s19 =	simm.s32 @!p1 $0x19000  }
0x2a: {  	[tilespmem:s16], [sflag:$0x1] =	stream.strided.gather @!p1 [hbm4b:s17+s18], s15, s19, s18, $0x38;
	[tilespmem:$0x8080] =	vst v63  }
0x2b: {  	p1 =	seq.s32 s8, $0x0  }
0x2c: {  	p2 =	seq.s32 @!p1 s8, $0x33  }
0x2d: {  	p1 =	por p1, p2  }
.Ltmp2:
0x2e: {  	_ = 	snop;
	(pc) =	sbr.rel @p1 .LBB1_5-.Ltmp2, $1  }
0x2f: {  	_ =	sdelay $0x3  }
0x30: {  	p1 =	sgt.s32 s12, $0x40  }
0x31: {  	s15 =	smov.u32 s12;
	s16 =	sshra.s32 s12, $0x1F;
	s17 =	sshra.s32 s14, $0x1F  }
0x32: {  	p2 =	sgt.s32 s13, $0x1F;
	s15 =	simm.s32 @!p1 $0x40;
	s16 =	sand.u32 s16, s12  }
0x33: {  	s19 =	sshra.s32 s13, $0x1F;
	p1 =	sgt.s32 s14, $0x18;
	s15 =	ssub.s32 s15, s16  }
0x34: {  	s17 =	sand.u32 s17, s14;
	s16 =	smov.u32 s14;
	s15 =	sadd.s32 $0xFFFFFFC0, s15  }
0x35: {  	s26 =	sand.u32 s19, s13;
	s16 =	simm.s32 @!p1 $0x18;
	p1 =	sgt.s32 s15, $0x7F  }
0x36: {  	s16 =	ssub.s32 s16, s17;
	s17 =	smov.u32 s13;
	s15 =	sshll.u32 s15, $0x6  }
0x37: {  	s18 =	sadd.s32 $0xFFFFFFE8, s16;
	s17 =	simm.s32 @!p2 $0x1F;
	s16 =	ssub.s32 $0x19, s16  }
0x38: {  	s15 =	ssub.s32 $0x2000, s15;
	p2 =	sgt.s32 s18, $0x0;
	s17 =	ssub.s32 s17, s26  }
0x39: {  	s15 =	simm.s32 @p1 $0x0;
	s16 =	simm.s32 @p2 $0x0;
	s18 =	sadd.s32 $0xFFFFFFE1, s17  }
0x3a: {  	s17 =	ssub.s32 $0x20, s17;
	p1 =	sgt.s32 s18, $0x0;
	s15 =	smul.u32 s16, s15  }
0x3b: {  	s17 =	simm.s32 @p1 $0x0  }
0x3c: {  	s15 =	smul.u32 s17, s15;
	_ =	sdelay $0x1  }
0x3d: {  	s16 =	simm.s32 $0x1;
	s15 =	sand.u32 $0x3FFFFFC0, s15  }
0x3e: {  	s16 =	simm.s32 @!p0 $0x0;
	_ =	swait.ge [sflag:s5], s15  }
0x3f: {  	s27 =	sshll.u32 s16, $0xD;
	s15 =	ssub.s32 $0x0, s15;
	[sflag:s5] =	ssyncset.done $0x0  }
0x40: {  	s28 =	sor.u32 $0x20, s27;
	[sflag:s5] =	ssyncadd.s32 s15  }
0x41: {  	s29 =	smul.u32 $0x8100, s16;
	v3 =	vld [tilespmem:s28+$0x10]  }
0x42: {  	s30 =	sand.u32 $0x1, s8;
	v2 =	vld [tilespmem:s28+$0xFFFFFFF0]  }
0x43: {  	s16 =	smul.u32 $0x8100, s30;
	s15 =	sshrl.u32 s29, $0x2;
	v0 =	vld [tilespmem:s28+$0x0]  }
0x44: {  	s17 =	sor.u32 $0x4000, s15;
	v1 =	vld [tilespmem:s28+$0xFFFFFFE0]  }
0x45: {  	s31 =	sshrl.u32 s16, $0x2;
	s16 =	sadd.s32 $0x0, s17  }
0x46: {  	s18 =	simm.s32 $0x4;
	s19 =	sadd.s32 $0x40, s28;
	s15 =	sor.u32 $0x4000, s31;
	[tilespmem:s16+$0x1830 ss:$0x81] =	vst.msk $0xffff, v3  }
.LBB1_3:
0x47: {  	v3 =	vld [tilespmem:s19+$0x10];
	p1 =	sne.s32 s18, $0x1FC;
	[tilespmem:s16+$0x810 ss:$0x81] =	vst.msk $0xffff, v2;
	s20 =	smov.u32 s18;
	s18 =	sadd.s32 $0x4, s18  }
.Ltmp3:
0x48: {  	v2 =	vld [tilespmem:s19+$0xFFFFFFF0];
	[tilespmem:s16+$0x1020 ss:$0x81] =	vst.msk $0xffff, v0;
	(pc) =	sbr.rel @p1 .LBB1_3-.Ltmp3, $4  }
0x49: {  	v0 =	vld [tilespmem:s19+$0x0];
	[tilespmem:s16+$0x0 ss:$0x81] =	vst.msk $0xffff, v1  }
0x4a: {  	s16 =	sshra.s32 s20, $0x2;
	v1 =	vld [tilespmem:s19+$0xFFFFFFE0]  }
0x4b: {  	s16 =	sadd.s32 s16, s17  }
0x4c: {  	s19 =	sadd.s32 $0x40, s19;
	[tilespmem:s16+$0x1830 ss:$0x81] =	vst.msk $0xffff, v3  }
0x4d: {  	s17 =	sand.u32 $0x780, s12;
	s13 =	smul.u32 $0xC800, s13;
	s14 =	sshll.u32 s14, $0xB  }
.Ltmp4:
0x4e: {  	s18 =	sshrl.u32 s12, $0x3;
	s17 =	sadd.s32 s3, s17;
	(pc) =	sbr.rel .LBB1_5-.Ltmp4, $4  }
0x4f: {  	[tilespmem:s16+$0x810 ss:$0x81] =	vst.msk $0xffff, v2;
	s31 =	sand.u32 $0x7, s12;
	s18 =	sand.u32 $0xF, s18;
	s14 =	sadd.s32 s14, s17  }
0x50: {  	[tilespmem:s16+$0x1020 ss:$0x81] =	vst.msk $0xffff, v0;
	s12 =	sshll.u32 s31, $0x12;
	s14 =	sadd.s32 s18, s14  }
0x51: {  	[tilespmem:s16+$0x0 ss:$0x81] =	vst.msk $0xffff, v1;
	s12 =	sor.u32 $0x400, s12;
	s13 =	sadd.s32 s13, s14  }
0x52: {  	[hbm4b:s13+s12] =	stream.strided.scatter [tilespmem:s15], [sflag:$0x2], $0x2000, s7, s12, $0x20;
	[tilespmem:$0x8080] =	vst v63  }
.LBB1_6:
0x53: {  	_ =	sfence.sel $0x180000  }
0x54: {  	s2 =	simm.s32 $0x1;
	[bflag:$0x0] =	sbarrier.arrive $0xFFFF  }
0x55: {  	s31 =	simm.s32 $0x2;
	[sflag:s2] =	ssyncpa.u1 $0x1  }
0x56: {  	[sflag:s31] =	ssyncpa.u1 $0x1  }
0x57: {  	p0 =	sne.s32 s1, $0x0;
	_ =	strace $0x90000047  }
0x58: {  	s0 =	sadd.s32 @!p0 $0x100000, s0;
	[bflag:$0x2] =	sbarrier.arrive $0xFFFF  }
0x59: {  	[sflag:s0] =	ssyncadd.tile.s32 @!p0 $0x1;
	_ =	shalt  }
.Lfunc_end1:
_tile_overlayer_lowered:
.L_overlay_start_2:
0x5a: {  	(tag) =	ssettag $0x2  }
0x5b: {  	s0 =	rddreg [dreg:$0x0];
	s2 =	stileid.u32  }
0x5c: {  	s1 =	rddreg [dreg:$0x1];
	p0 =	sne.s32 s2, $0x0  }
0x5d: {  	s3 =	rddreg [dreg:$0x2];
	[bflag:$0x3] =	sbarrier.arrive $0xFFFF;
	s2 =	simm.s32 @!p0 $0x1C01  }
0x5e: {  	[timem:s3], [sflag:s2] =	dma.local @!p0 [hbm:s0], s1  }
0x5f: {  	s0 =	simm.s32 @!p0 $0x1  }
0x60: {  	_ =	swait.ge @!p0 [sflag:s0], s1  }
0x61: {  	s1 =	ssub.s32 @!p0 $0x0, s1;
	[sflag:s0] =	ssyncset.done @!p0 $0x0  }
0x62: {  	[sflag:s0] =	ssyncadd.s32 @!p0 s1  }
0x63: {  	[bflag:$0x3] =	sbarrier.arrive $0xFFFF  }
0x64: {  	_ =	shalt  }

// kernel: sparse-core-data-format-call.cloned.1.call-start
scs
called_computation_lowered:
.L_overlay_start_0:
0x0: {  	s2 =	sld [smem:$0x3FD9]  }
0x1: {  	s3 =	sld [smem:$0x3FFE];
	_ =	sdelay $0x1  }
0x2: {  	s1 =	srdreg.scid  }
0x3: {  	s0 =	sand.u32 $0x1, s1  }
0x4: {  	s15 =	sshll.u32 s0, $0xA;
	s2 =	sadd.s32 s3, s2  }
0x5: {  	s2 =	sadd.s32 s2, s15  }
0x6: {  	[smem:$0x3FBB] =	sst s2  }
0x7: {  	_ = 	snop  }
0x8: {  	s2 =	sld [smem:$0x3FD0];
	_ =	sdelay $0x3  }
0x9: {  	s16 =	simm.s32 $0xA;
	s4 =	simm.s32 $0x10;
	s2 =	sadd.s32 $0x1, s2  }
0xa: {  	[smem:s4], [sflag:s16] =	dma.local [hbm:s2], $0x1  }
0xb: {  	_ =	swait.eq [sflag:s16], $0x1  }
0xc: {  	[sflag:s16] =	ssyncset.done $0x0  }
0xd: {  	[sflag:s16] =	ssyncadd.s32 $0xFFFFFFFF  }
0xe: {  	s17 =	sld [smem:$0x11];
	(tm) =	ssettm $0x1  }
0xf: {  	s18 =	sld [smem:$0x3FFB];
	_ =	sdelay $0x3  }
0x10: {  	_ =	strace s18  }
0x11: {  	s3 =	sld [smem:$0x3FFC];
	_ =	sdelay $0x3  }
0x12: {  	_ =	strace s3  }
0x13: {  	s3 =	sld [smem:$0x3FFD];
	_ =	sdelay $0x3  }
0x14: {  	_ =	strace s3  }
0x15: {  	_ =	strace $0x8FFFFFFF  }
0x16: {  	s19 =	sld [smem:$0x3FDB];
	_ =	sdelay $0x1  }
0x17: {  	s20 =	simm.s32 $_scs_section_size  }
0x18: {  	s5 =	simm.s32 $_size__tile_overlayer_lowered;
	s6 =	simm.s32 $_tile_overlayer_lowered  }
0x19: {  	s23 =	simm.s32 $0x1BFF;
	s22 =	sshll.u32 s6, $0x1;
	s3 =	sadd.s32 s20, s19  }
0x1a: {  	s7 =	simm.s32 $0x0;
	s21 =	sshll.u32 s5, $0x1;
	s5 =	sadd.s32 s22, s3  }
0x1b: {  	[timem:s7], [sflag:s23] =	dma.local [hbm:s5], s21  }
0x1c: {  	_ =	swait.ge [sflag:s23], s21  }
0x1d: {  	s4 =	ssub.s32 $0x0, s21;
	[sflag:s23] =	ssyncset.done $0x0  }
0x1e: {  	[sflag:s23] =	ssyncadd.s32 s4;
	_ =	sdelay $0x1  }
0x1f: {  	s24 =	simm.s32 $0x1B8B  }
0x20: {  	_ =	swait.ge [sflag:s24], $0x1  }
0x21: {  	[sflag:s24] =	ssyncset.done $0x0  }
0x22: {  	s26 =	simm.s32 $0x1B8E;
	s25 =	sld [smem:$0x3FFE];
	[sflag:s24] =	ssyncadd.s32 $0xFFFFFFFF  }
0x23: {  	s27 =	simm.s32 $execute0_lowered;
	[smem:$0x3FD2] =	sst s26  }
0x24: {  	s5 =	sshll.u32 s27, $0x1;
	_ =	strace $0x80000049;
	[dreg:$0x1] =	wrdreg $0xFFFFFFFF  }
0x25: {  	s28 =	simm.s32 $_size_execute0_lowered;
	s3 =	sadd.s32 s3, s5;
	[dreg:$0x0] =	wrdreg $0x0  }
0x26: {  	s5 =	sshll.u32 s28, $0x1;
	[dreg:$0x2] =	wrdreg s3  }
0x27: {  	[dreg:$0x3] =	wrdreg s5  }
0x28: {  	[dreg:$0x4] =	wrdreg $0xC0  }
0x29: {  	_ =	task [dreg:s7], $0x5FFFF  }
0x2a: {  	[dreg:$0x1] =	wrdreg $0xFFFFFFFF  }
0x2b: {  	[dreg:$0x0] =	wrdreg $0x60  }
0x2c: {  	[dreg:$0x2] =	wrdreg s25  }
0x2d: {  	[dreg:$0x3] =	wrdreg s17  }
0x2e: {  	[dreg:$0x4] =	wrdreg $0x9  }
0x2f: {  	_ =	task.clear_ibuf [dreg:s7], $0x5FFFF;
	_ =	strace $0x90000049  }
0x30: {  	s29 =	simm.s32 $0x9;
	_ =	strace $0x8000004B  }
0x31: {  	_ =	swait.ge [sflag:s29], $0x1  }
0x32: {  	[sflag:s29] =	ssyncadd.s32 $0xFFFFFFFF  }
0x33: {  	_ =	strace $0x9000004B  }
0x34: {  	_ =	sfence  }
0x35: {  	s30 =	sld [smem:$0x0];
	_ =	sdelay $0x2  }
0x36: {  	s31 =	sshll.u32 s1, $0xD;
	s1 =	sshrl.u32 s1, $0x2  }
0x37: {  	s3 =	sand.u32 $0x4000, s31;
	s1 =	sadd.s32 s1, s30  }
0x38: {  	s0 =	sor.u32 s3, s0;
	s1 =	sshll.u32 s1, $0x11  }
0x39: {  	s0 =	sor.u32 s1, s0  }
0x3a: {  	s0 =	sadd.s32 $0x8F2B, s0  }
0x3b: {  	[sflag:s0] =	ssyncadd.remote.s32 $0x1  }
0x3c: {  	_ =	sfence.sel $0xFFFF  }
0x3d: {  	[dreg:$0x0] =	wrdreg $0xFFFFFFFF;
	(pc) =	sbr.abs _section_cstart, $3  }
0x3e: {  	[dreg:$0x1] =	wrdreg $0xFFFFFFFF  }
0x3f: {  	_ =	task.clear_ibuf [dreg:s7], $0x2FFFF;
	_ =	strace $0x9FFFFFFF  }
0x40: {  	(tm) =	ssettm $0x7FFFFFFF  }
0x41: {  	_ =	shalt  }
tec
execute0_lowered:
.L_overlay_start_1:
0x0: {  	(tag) =	ssettag $0x1  }
0x1: {  	s0 =	rddreg [dreg:$0x0]  }
0x2: {  	s1 =	srdreg.scid;
	_ =	strace $0x8000004A;
	s2 =	stileid.u32  }
0x3: {  	s3 =	simm.s32 $0x1;
	s31 =	simm.s32 $0x2;
	s20 =	simm.s32 $0x0  }
0x4: {  	s22 =	simm.s32 $0x0;
	s21 =	simm.s32 $0x0;
	s23 =	simm.s32 $0x0  }
0x5: {  	s11 =	simm.s32 $0x0;
	s12 =	simm.s32 $0x0;
	s14 =	simm.s32 $0x0  }
0x6: {  	s16 =	simm.s32 $0x0;
	s15 =	simm.s32 $0x0;
	s13 =	simm.s32 $0x0  }
0x7: {  	s1 =	sshll.u32 s1, $0x4;
	s0 =	sadd.s32 $0x5A00, s0;
	s8 =	sand.u32 $0x3, s2  }
.Ltmp0:
0x8: {  	s30 =	sshll.u32 s2, $0x5;
	[sflag:s3] =	ssyncpa.u1 $0x0;
	(pc) =	sbr.rel .LBB1_1-.Ltmp0, $4  }
0x9: {  	[dreg:$0x3] =	wrdreg s0;
	s29 =	sand.u32 $0x10, s1;
	s10 =	sand.u32 $0x80, s30  }
0xa: {  	[sflag:s31] =	ssyncpa.u1 $0x0;
	[dreg:$0x4] =	wrdreg s8;
	s0 =	sor.u32 s2, s29  }
0xb: {  	s19 =	smov.u32 s8;
	[dreg:$0x6] =	wrdreg s10;
	s9 =	sshrl.u32 s0, $0x3  }
0xc: {  	s18 =	smov.u32 s10;
	s17 =	smov.u32 s9;
	[dreg:$0x5] =	wrdreg s9  }
.LBB1_18:
0xd: {  	s11 =	rddreg [dreg:$0x7]  }
0xe: {  	s14 =	rddreg [dreg:$0xa]  }
0xf: {  	s4 =	rddreg [dreg:$0x16]  }
0x10: {  	s19 =	rddreg [dreg:$0x17]  }
0x11: {  	s20 =	rddreg [dreg:$0x14]  }
0x12: {  	s22 =	rddreg [dreg:$0x15]  }
0x13: {  	s16 =	rddreg [dreg:$0xc]  }
0x14: {  	s12 =	rddreg [dreg:$0x8]  }
0x15: {  	s26 =	rddreg [dreg:$0x1]  }
0x16: {  	s29 =	rddreg [dreg:$0x18]  }
0x17: {  	s8 =	rddreg [dreg:$0x4]  }
0x18: {  	s9 =	rddreg [dreg:$0x5]  }
0x19: {  	s10 =	rddreg [dreg:$0x6]  }
0x1a: {  	s13 =	rddreg [dreg:$0x9]  }
0x1b: {  	s31 =	simm.s32 $0x800;
	s15 =	rddreg [dreg:$0xb]  }
0x1c: {  	s17 =	rddreg [dreg:$0xd];
	s0 =	sshll.u32 s11, $0x8;
	p0 =	sgt.s32 s14, $0x80  }
0x1d: {  	s1 =	smov.u32 s14;
	s2 =	sshll.u32 s14, $0x3;
	s24 =	smul.u32 $0x60000, s16  }
0x1e: {  	s3 =	sshll.u32 s11, $0x7;
	s23 =	sand.u32 $0x78, s14;
	s25 =	smul.u32 $0x1800, s12  }
0x1f: {  	s27 =	sand.u32 $0x7, s14;
	s0 =	sand.u32 $0xFFFFF800, s0;
	s1 =	simm.s32 @!p0 $0x80  }
0x20: {  	s2 =	sand.u32 $0xFFFFFC00, s2;
	s18 =	sand.u32 $0x300, s3;
	p0 =	sgt.s32 s11, $0x40  }
0x21: {  	s3 =	sand.u32 $0x80, s3;
	s28 =	sshll.u32 s27, $0x12;
	s1 =	sadd.s32 s4, s1  }
0x22: {  	s0 =	sadd.s32 s2, s0;
	s30 =	sor.u32 $0x400, s28;
	s4 =	sadd.s32 $0xFFFFFF80, s1  }
0x23: {  	s1 =	ssub.s32 $0x100, s1;
	s0 =	sor.u32 s18, s0;
	s18 =	rddreg [dreg:$0xe]  }
0x24: {  	p1 =	sgt.s32 s4, $0x7F;
	s4 =	smov.u32 s11;
	s0 =	sshrl.u32 s0, $0x8  }
0x25: {  	s4 =	simm.s32 @!p0 $0x40;
	s1 =	simm.s32 @p1 $0x0;
	s21 =	smulhi.u32 $0x1555556, s0  }
0x26: {  	s2 =	sadd.s32 s19, s4;
	s1 =	smul.u32 s20, s1;
	s19 =	rddreg [dreg:$0xf]  }
0x27: {  	s20 =	rddreg [dreg:$0x10];
	s5 =	sadd.s32 $0xFFFFFFC0, s2;
	s4 =	smul.u32 $0xC0, s21  }
0x28: {  	s2 =	ssub.s32 $0xC0, s2;
	p0 =	sgt.s32 s5, $0x7F;
	s1 =	smul.u32 s22, s1  }
0x29: {  	s21 =	rddreg [dreg:$0x11];
	s2 =	simm.s32 @p0 $0x0;
	s0 =	ssub.s32 s0, s4  }
0x2a: {  	s4 =	sadd.s32 s26, s24;
	s1 =	smul.u32 s2, s1;
	s2 =	sor.u32 s23, s3  }
0x2b: {  	s22 =	rddreg [dreg:$0x12];
	s3 =	sadd.s32 s25, s4;
	s2 =	sshrl.u32 s2, $0x3  }
0x2c: {  	s0 =	sshll.u32 s0, $0x5;
	s4 =	sor.u32 $0x8000, s29;
	s2 =	sadd.s32 s2, s3  }
0x2d: {  	s23 =	rddreg [dreg:$0x13];
	s1 =	sand.u32 $0x3FFFFFFF, s1;
	s0 =	sadd.s32 s0, s2  }
0x2e: {  	[hbm4b:s0+s30] =	stream.strided.scatter [tilespmem:s4], [sflag:$0x2], s1, s31, s30, $0x20;
	[tilespmem:$0x10100] =	vst v63  }
.LBB1_19:
0x2f: {  	p0 =	slt.u32 s13, $0x2  }
0x30: {  	s0 =	smov.u32 s23;
	s2 =	smov.u32 s22;
	s13 =	sadd.s32 $0x1, s13  }
0x31: {  	p1 =	sgt.s32 @!p0 s23, $0x3;
	s1 =	sshra.s32 @!p0 s23, $0x1F;
	s3 =	sshra.s32 @!p0 s22, $0x1F  }
0x32: {  	s4 =	sshra.s32 @!p0 s20, $0x1F;
	p1 =	por !p1, p0;
	s1 =	sand.u32 @!p0 s1, s23  }
0x33: {  	s4 =	sand.u32 @!p0 s4, s20;
	s0 =	simm.s32 @p1 $0x3;
	p1 =	sgt.s32 @!p0 s22, $0x3F  }
0x34: {  	s23 =	smov.u32 s16;
	s0 =	ssub.s32 @!p0 s0, s1;
	p1 =	por !p1, p0  }
0x35: {  	s1 =	sadd.s32 @!p0 $0xFFFFFFFD, s0;
	s2 =	simm.s32 @p1 $0x3F;
	s0 =	ssub.s32 @!p0 $0x4, s0  }
0x36: {  	p2 =	sgt.s32 @!p0 s1, $0x0;
	s1 =	sand.u32 @!p0 s3, s22;
	s3 =	sshra.s32 @!p0 s21, $0x1F  }
0x37: {  	p1 =	por !p2, p0;
	s1 =	ssub.s32 @!p0 s2, s1;
	s3 =	sand.u32 @!p0 s3, s21  }
0x38: {  	s0 =	simm.s32 @!p1 $0x0;
	s2 =	sadd.s32 @!p0 $0xFFFFFFC1, s1;
	p1 =	sgt.s32 @!p0 s21, $0x80  }
0x39: {  	p2 =	sgt.s32 @!p0 s2, $0x0;
	p1 =	por !p1, p0;
	s2 =	smov.u32 s21  }
0x3a: {  	s1 =	ssub.s32 @!p0 $0x40, s1;
	s2 =	simm.s32 @p1 $0x80;
	p1 =	sgt.s32 @!p0 s20, $0x40  }
0x3b: {  	p2 =	por !p2, p0;
	s2 =	ssub.s32 @!p0 s2, s3;
	p1 =	por !p1, p0  }
0x3c: {  	s3 =	smov.u32 s20;
	s1 =	simm.s32 @!p2 $0x0;
	s5 =	sadd.s32 @!p0 $0xFFFFFF80, s2  }
0x3d: {  	s3 =	simm.s32 @p1 $0x40;
	s2 =	ssub.s32 @!p0 $0x100, s2;
	p1 =	sgt.s32 @!p0 s5, $0x7F  }
0x3e: {  	s3 =	ssub.s32 @!p0 s3, s4;
	s5 =	smov.u32 s17;
	p1 =	por !p1, p0  }
0x3f: {  	s4 =	sadd.s32 @!p0 $0xFFFFFFC0, s3;
	s3 =	ssub.s32 @!p0 $0xC0, s3;
	s2 =	simm.s32 @!p1 $0x0  }
0x40: {  	p1 =	sgt.s32 @!p0 s4, $0x7F;
	s0 =	smul.u32 @!p0 s0, s2;
	s2 =	sadd.s32 $0x80, s15  }
0x41: {  	s4 =	sadd.s32 $0x4, s17;
	p1 =	por !p1, p0;
	p2 =	sgt.s32 s2, $0xBF  }
0x42: {  	s3 =	simm.s32 @!p1 $0x0;
	s0 =	smul.u32 @!p0 s1, s0;
	s5 =	smov.u32 @p2 s4  }
0x43: {  	s1 =	sadd.s32 $0x100, s18;
	s4 =	smov.u32 s18;
	p1 =	sgt.s32 s5, $0x3F  }
0x44: {  	s2 =	simm.s32 @p2 $0x0;
	s0 =	smul.u32 @!p0 s3, s0;
	s4 =	smov.u32 @p1 s1  }
0x45: {  	s1 =	sadd.s32 $0x4, s19;
	s3 =	smov.u32 s19;
	p2 =	sgt.s32 s4, $0xBF  }
0x46: {  	s16 =	smov.u32 s19;
	s22 =	smov.u32 s12;
	s3 =	smov.u32 @p2 s1  }
0x47: {  	s12 =	smov.u32 s17;
	s5 =	smov.u32 @p1 s9;
	p1 =	sgt.s32 s3, $0x3  }
0x48: {  	s21 =	smov.u32 s14;
	s3 =	smov.u32 @p1 s8;
	p1 =	sne.s32 s13, $0x22  }
.Ltmp1:
0x49: {  	s14 =	smov.u32 s18;
	s20 =	smov.u32 s11;
	(pc) =	sbr.rel @!p1 .LBB1_20-.Ltmp1, $4  }
0x4a: {  	s11 =	smov.u32 s15;
	s0 =	sand.u32 @!p0 $0x3FFFFFFF, s0;
	s1 =	simm.s32 @!p0 $0x2  }
0x4b: {  	s15 =	smov.u32 s2;
	s17 =	smov.u32 s5;
	_ =	swait.ge @!p0 [sflag:s1], s0  }
0x4c: {  	s4 =	smov.u32 @p2 s10;
	s0 =	ssub.s32 @!p0 $0x0, s0;
	[sflag:s1] =	ssyncset.done @!p0 $0x0  }
0x4d: {  	s18 =	smov.u32 s4;
	[sflag:s1] =	ssyncadd.s32 @!p0 s0;
	s19 =	smov.u32 s3  }
.LBB1_1:
0x4e: {  	p0 =	sgt.u32 s13, $0x1F  }
.Ltmp2:
0x4f: {  	_ = 	snop;
	(pc) =	sbr.rel @p0 .LBB1_3-.Ltmp2, $1  }
0x50: {  	_ =	sdelay $0x3  }
0x51: {  	s0 =	sshll.u32 s17, $0x8;
	s1 =	sshll.u32 s15, $0x3;
	s28 =	sshll.u32 s17, $0x7  }
0x52: {  	p0 =	sgt.s32 s19, $0x3;
	s3 =	smov.u32 s19;
	s4 =	sshra.s32 s19, $0x1F  }
0x53: {  	s30 =	sshra.s32 s18, $0x1F;
	s6 =	sshra.s32 s17, $0x1F;
	s31 =	sand.u32 $0x78, s15  }
0x54: {  	s25 =	smul.u32 $0x60000, s19;
	s26 =	sshll.u32 s18, $0xB;
	s27 =	rddreg [dreg:$0x3]  }
0x55: {  	s0 =	sand.u32 $0x3800, s0;
	s1 =	sand.u32 $0x3C00, s1;
	s2 =	sand.u32 $0x300, s28  }
0x56: {  	s3 =	simm.s32 @!p0 $0x3;
	s29 =	sand.u32 s4, s19;
	p0 =	sgt.s32 s18, $0x40  }
0x57: {  	s4 =	sand.u32 s30, s18;
	s6 =	sand.u32 s6, s17;
	s0 =	sadd.s32 s0, s1  }
0x58: {  	s1 =	sand.u32 $0x80, s28;
	s28 =	sand.u32 $0x7, s15;
	s0 =	sor.u32 s2, s0  }
0x59: {  	s2 =	ssub.s32 s3, s29;
	s3 =	smov.u32 s18;
	s1 =	sor.u32 s31, s1  }
0x5a: {  	s29 =	sshll.u32 s28, $0x12;
	s31 =	simm.s32 $0x4000;
	s3 =	simm.s32 @!p0 $0x40  }
0x5b: {  	s5 =	sadd.s32 $0xFFFFFFFD, s2;
	p0 =	sgt.s32 s17, $0x3F;
	s3 =	ssub.s32 s3, s4  }
0x5c: {  	s2 =	ssub.s32 $0x4, s2;
	s4 =	smov.u32 s17;
	s7 =	sadd.s32 $0xFFFFFFC0, s3  }
0x5d: {  	s4 =	simm.s32 @!p0 $0x3F;
	p0 =	sgt.s32 s5, $0x0;
	s3 =	ssub.s32 $0xC0, s3  }
0x5e: {  	p1 =	sgt.s32 s7, $0x7F;
	s4 =	ssub.s32 s4, s6;
	s2 =	simm.s32 @p0 $0x0  }
0x5f: {  	s6 =	sshra.s32 s15, $0x1F;
	s3 =	simm.s32 @p1 $0x0;
	s5 =	sadd.s32 $0xFFFFFFC1, s4  }
0x60: {  	p1 =	sgt.s32 s15, $0x80;
	s2 =	smul.u32 s2, s3;
	s3 =	smov.u32 s15  }
0x61: {  	p0 =	sgt.s32 s5, $0x0;
	s5 =	sand.u32 s6, s15;
	s3 =	simm.s32 @!p1 $0x80  }
0x62: {  	s0 =	sshrl.u32 s0, $0x3;
	s4 =	ssub.s32 $0x40, s4;
	s3 =	ssub.s32 s3, s5  }
0x63: {  	s1 =	sshrl.u32 s1, $0x3;
	s4 =	simm.s32 @p0 $0x0;
	s24 =	sadd.s32 $0xFFFFFF80, s3  }
0x64: {  	s2 =	smul.u32 s4, s2;
	s3 =	ssub.s32 $0x100, s3;
	p0 =	sgt.s32 s24, $0x7F  }
0x65: {  	s30 =	sor.u32 $0x80, s29;
	s4 =	sadd.s32 s27, s25;
	s3 =	simm.s32 @p0 $0x0  }
0x66: {  	s7 =	sxor.u32 $0xFFFFFFFF, s13;
	s2 =	smul.u32 s3, s2;
	s3 =	sadd.s32 s26, s4  }
0x67: {  	s0 =	sand.u32 $0x7E0, s0;
	s5 =	sshll.u32 s7, $0xE;
	s1 =	sadd.s32 s1, s3  }
0x68: {  	s5 =	sand.u32 $0x4000, s5;
	s2 =	sand.u32 $0x3FFFFFFF, s2;
	s0 =	sadd.s32 s0, s1  }
0x69: {  	[tilespmem:s5], [sflag:$0x1] =	stream.strided.gather [hbm4b:s0+s30], s2, s31, s30, $0x38;
	[tilespmem:$0x10100] =	vst v63  }
.LBB1_3:
0x6a: {  	p0 =	seq.s32 s13, $0x0  }
0x6b: {  	p1 =	seq.s32 @!p0 s13, $0x21  }
0x6c: {  	p0 =	por p0, p1  }
.Ltmp3:
0x6d: {  	_ = 	snop;
	(pc) =	sbr.rel @p0 .LBB1_19-.Ltmp3, $1  }
0x6e: {  	_ =	sdelay $0x3  }
0x6f: {  	[dreg:$0x13] =	wrdreg s23  }
0x70: {  	[dreg:$0x12] =	wrdreg s22  }
0x71: {  	[dreg:$0x11] =	wrdreg s21  }
0x72: {  	[dreg:$0x10] =	wrdreg s20  }
0x73: {  	[dreg:$0xf] =	wrdreg s19  }
0x74: {  	[dreg:$0xe] =	wrdreg s18  }
0x75: {  	[dreg:$0xd] =	wrdreg s17  }
0x76: {  	[dreg:$0xb] =	wrdreg s15;
	p0 =	sgt.s32 s16, $0x3  }
0x77: {  	s0 =	smov.u32 s16;
	s1 =	sshra.s32 s16, $0x1F;
	s19 =	ssub.s32 $0x0, s14  }
0x78: {  	s2 =	sshra.s32 s14, $0x1F;
	p1 =	sgt.s32 s12, $0x3F;
	s3 =	smov.u32 s12  }
0x79: {  	s4 =	sshra.s32 s12, $0x1F;
	p2 =	sgt.s32 s14, $0x40;
	[dreg:$0x7] =	wrdreg s11  }
0x7a: {  	s5 =	smov.u32 s14;
	s24 =	ssub.s32 $0x0, s11;
	[dreg:$0xc] =	wrdreg s16  }
0x7b: {  	s25 =	sshra.s32 s11, $0x1F;
	[dreg:$0xa] =	wrdreg s14;
	s0 =	simm.s32 @!p0 $0x3  }
0x7c: {  	s1 =	sand.u32 s1, s16;
	s3 =	simm.s32 @!p1 $0x3F;
	s4 =	sand.u32 s4, s12  }
0x7d: {  	s2 =	sand.u32 s19, s2;
	s5 =	simm.s32 @!p2 $0x40;
	p1 =	sgt.s32 s11, $0x80  }
0x7e: {  	s26 =	sand.u32 s24, s25;
	s0 =	ssub.s32 s0, s1;
	s20 =	ssub.s32 s3, s4  }
0x7f: {  	[dreg:$0x16] =	wrdreg s2;
	s21 =	sadd.s32 s2, s5;
	s5 =	smov.u32 s11  }
0x80: {  	s2 =	sadd.s32 $0x1, s16;
	s1 =	sadd.s32 $0xFFFFFFFD, s0;
	s6 =	ssub.s32 $0x4, s0  }
0x81: {  	s22 =	sadd.s32 $0xFFFFFFC1, s20;
	s23 =	sadd.s32 $0xFFFFFFC0, s21;
	s7 =	ssub.s32 $0x40, s20  }
0x82: {  	s5 =	simm.s32 @!p1 $0x80;
	s0 =	ssub.s32 $0xC0, s21;
	p0 =	sgt.s32 s1, $0x0  }
0x83: {  	s1 =	sadd.s32 s26, s5;
	s6 =	simm.s32 @p0 $0x0;
	p0 =	sgt.s32 s22, $0x0  }
0x84: {  	p1 =	sgt.s32 s23, $0x7F;
	s27 =	sadd.s32 $0xFFFFFF80, s1;
	s7 =	simm.s32 @p0 $0x0  }
0x85: {  	s1 =	ssub.s32 $0x100, s1;
	p0 =	sgt.s32 s27, $0x7F;
	s28 =	smul.u32 s6, s7  }
0x86: {  	s0 =	simm.s32 @p1 $0x0;
	s1 =	simm.s32 @p0 $0x0;
	p0 =	slt.s32 s2, $0x4  }
0x87: {  	s3 =	sadd.s32 $0x80, s14;
	s2 =	simm.s32 @!p0 $0x4;
	s0 =	smul.u32 s0, s28  }
0x88: {  	[dreg:$0x8] =	wrdreg s12;
	p0 =	slt.s32 s3, $0xC0;
	s2 =	ssub.s32 s2, s16  }
0x89: {  	s3 =	simm.s32 @!p0 $0xC0;
	s0 =	smul.u32 s1, s0;
	s1 =	sadd.s32 $0x1, s12  }
0x8a: {  	s3 =	ssub.s32 s3, s14;
	p0 =	slt.s32 s2, $0x1;
	p1 =	slt.s32 s1, $0x40  }
0x8b: {  	[dreg:$0x9] =	wrdreg s13;
	s1 =	simm.s32 @!p1 $0x40;
	p1 =	slt.s32 @!p0 s3, $0x1  }
0x8c: {  	[dreg:$0x17] =	wrdreg s26;
	s30 =	ssub.s32 s1, s12;
	p1 =	por p0, p1  }
0x8d: {  	[dreg:$0x14] =	wrdreg s6;
	p2 =	slt.s32 @!p1 s30, $0x1  }
0x8e: {  	[dreg:$0x15] =	wrdreg s7;
	p1 =	por p1, p2  }
.Ltmp4:
0x8f: {  	s29 =	simm.s32 $0x1;
	[dreg:$0x19] =	wrdreg s2;
	(pc) =	sbr.rel @p1 .LBB1_18-.Ltmp4, $4  }
0x90: {  	[dreg:$0x1a] =	wrdreg s3;
	s0 =	sand.u32 $0x3FFFFFFF, s0;
	s1 =	sand.u32 $0x1, s13  }
0x91: {  	_ =	swait.ge [sflag:s29], s0;
	s31 =	smul.u32 $0x4080, s1  }
0x92: {  	s0 =	ssub.s32 $0x0, s0;
	[sflag:s29] =	ssyncset.done $0x0  }
0x93: {  	[sflag:s29] =	ssyncadd.s32 s0;
	[dreg:$0x18] =	wrdreg s31  }
0x94: {  	s2 =	rddreg [dreg:$0x7]  }
0x95: {  	s0 =	sadd.s32 $0x80, s2  }
0x96: {  	p1 =	slt.s32 s0, $0xC0  }
.Ltmp5:
0x97: {  	s0 =	simm.s32 @!p1 $0xC0;
	(pc) =	sbr.rel .LBB1_6-.Ltmp5, $4  }
0x98: {  	s1 =	sshll.u32 @!p0 s1, $0xE;
	s0 =	ssub.s32 s0, s2  }
0x99: {  	s8 =	simm.s32 $0x0;
	[dreg:$0x1b] =	wrdreg s1;
	s3 =	sadd.s32 $0xF, s0  }
0x9a: {  	s1 =	rddreg [dreg:$0x18];
	s31 =	sand.u32 $0xFFFFFFF0, s3;
	s0 =	sand.u32 @!p0 $0xFFFFFF00, s3  }
0x9b: {  	s2 =	sor.u32 @!p0 $0x8000, s1;
	p0 =	slt.s32 s3, $0x100;
	p1 =	sge.s32 s0, s31  }
.LBB1_17:
0x9c: {  	s8 =	sadd.s32 $0x1, s8;
	s1 =	rddreg [dreg:$0x19]  }
0x9d: {  	p2 =	sne.s32 s8, s1  }
.Ltmp6:
0x9e: {  	_ = 	snop;
	(pc) =	sbr.rel @!p2 .LBB1_18-.Ltmp6, $1  }
0x9f: {  	_ =	sdelay $0x3  }
.LBB1_6:
.Ltmp7:
0xa0: {  	(pc) =	sbr.rel .LBB1_7-.Ltmp7, $4  }
0xa1: {  	_ = 	snop  }
0xa2: {  	s1 =	sshll.u32 s8, $0x10  }
0xa3: {  	s3 =	rddreg [dreg:$0x1b];
	s1 =	sshra.s32 s1, $0x2  }
0xa4: {  	s9 =	sadd.s32 s1, s3;
	s3 =	simm.s32 $0x0  }
.LBB1_16:
0xa5: {  	s3 =	sadd.s32 $0x1, s3;
	s1 =	rddreg [dreg:$0x1a]  }
0xa6: {  	p2 =	sne.s32 s3, s1  }
.Ltmp8:
0xa7: {  	_ = 	snop;
	(pc) =	sbr.rel @!p2 .LBB1_17-.Ltmp8, $1  }
0xa8: {  	_ =	sdelay $0x3  }
.LBB1_7:
0xa9: {  	s5 =	sshrl.u32 s3, $0x4  }
0xaa: {  	s1 =	sshll.u32 s3, $0x3;
	s4 =	sshll.u32 s3, $0x9;
	s6 =	sand.u32 $0x78, s5  }
0xab: {  	s7 =	sadd.s32 $0x800, s1;
	s11 =	sadd.s32 $0x1000, s1;
	s12 =	sadd.s32 $0x1800, s1  }
0xac: {  	s23 =	sshra.s32 s4, $0x2;
	s26 =	sadd.s32 $0x2800, s1;
	s29 =	sadd.s32 $0x3000, s1  }
0xad: {  	s10 =	smul.u32 $0x204, s6;
	s7 =	sshrl.u32 s7, $0x7;
	s25 =	sxor.u32 $0x40, s6  }
0xae: {  	s11 =	sshrl.u32 s11, $0x7;
	s7 =	sand.u32 $0x78, s7;
	s15 =	smul.u32 $0x204, s25  }
0xaf: {  	s22 =	sshrl.u32 s12, $0x7;
	s21 =	sand.u32 $0x78, s11;
	s13 =	smul.u32 $0x204, s7  }
0xb0: {  	s28 =	sshrl.u32 s26, $0x7;
	s24 =	sand.u32 $0x78, s22;
	s14 =	smul.u32 $0x204, s21  }
0xb1: {  	s6 =	sshrl.u32 s29, $0x7;
	s4 =	sand.u32 $0x78, s28;
	s11 =	smul.u32 $0x204, s24  }
0xb2: {  	s1 =	sadd.s32 $0x3800, s1;
	s6 =	sand.u32 $0x78, s6;
	s16 =	smul.u32 $0x204, s4  }
0xb3: {  	s1 =	sshrl.u32 s1, $0x7;
	s17 =	smul.u32 $0x204, s6  }
.Ltmp9:
0xb4: {  	s27 =	simm.s32 $0x0;
	s1 =	sand.u32 $0x78, s1;
	(pc) =	sbr.rel .LBB1_8-.Ltmp9, $4  }
0xb5: {  	s4 =	sand.u32 $0x7F, s3;
	s6 =	sadd.s32 s23, s9;
	s1 =	smul.u32 $0x204, s1  }
0xb6: {  	s25 =	sshrl.u32 s10, $0x2;
	s7 =	sadd.s32 s4, s2;
	s19 =	sshrl.u32 s15, $0x2  }
0xb7: {  	s26 =	sshrl.u32 s13, $0x2;
	s23 =	sshrl.u32 s14, $0x2;
	s24 =	sshrl.u32 s11, $0x2  }
0xb8: {  	s11 =	sshrl.u32 s16, $0x2;
	s15 =	sshrl.u32 s17, $0x2;
	s20 =	sshrl.u32 s1, $0x2  }
.LBB1_15:
0xb9: {  	s27 =	sadd.s32 $0x1, s27  }
0xba: {  	p2 =	sne.s32 s27, s30  }
.Ltmp10:
0xbb: {  	_ = 	snop;
	(pc) =	sbr.rel @!p2 .LBB1_16-.Ltmp10, $1  }
0xbc: {  	_ =	sdelay $0x3  }
.LBB1_8:
.Ltmp11:
0xbd: {  	(pc) =	sbr.rel @p0 .LBB1_12-.Ltmp11, $2  }
0xbe: {  	_ =	sdelay $0x2  }
0xbf: {  	s21 =	sshll.u32 s27, $0x7;
	s22 =	sadd.s32 s8, s27  }
0xc0: {  	s10 =	sand.u32 $0x380, s21  }
0xc1: {  	s1 =	smul.u32 $0x10200, s22;
	s14 =	sadd.s32 s10, s6  }
0xc2: {  	v3 =	vld [tilespmem:s14+$0x60]  }
0xc3: {  	s1 =	sshra.s32 s1, $0x2;
	v2 =	vld [tilespmem:s14+$0x40]  }
0xc4: {  	v4 =	vld [tilespmem:s14+$0x30];
	s1 =	sadd.s32 s1, s2  }
0xc5: {  	v5 =	vld [tilespmem:s14+$0x20];
	s12 =	sadd.s32 s25, s1;
	s28 =	sadd.s32 s15, s1  }
0xc6: {  	v6 =	vld [tilespmem:s14+$0x10];
	s13 =	sadd.s32 s26, s1;
	s16 =	sadd.s32 s19, s1;
	s28 =	sadd.s32 s4, s28  }
0xc7: {  	v7 =	vld [tilespmem:s14+$0x0];
	s17 =	sadd.s32 s4, s12;
	s12 =	sadd.s32 s24, s1;
	s16 =	sadd.s32 s4, s16;
	[tilespmem:s28+$0x0 ss:$0x81] =	vst.msk $0xffff, v3  }
0xc8: {  	s18 =	sadd.s32 s4, s13;
	s13 =	sadd.s32 s23, s1;
	s10 =	sadd.s32 s4, s12;
	[tilespmem:s16+$0x0 ss:$0x81] =	vst.msk $0xffff, v2  }
0xc9: {  	s13 =	sadd.s32 s4, s13;
	[tilespmem:s10+$0x0 ss:$0x81] =	vst.msk $0xffff, v4  }
0xca: {  	[tilespmem:s13+$0x0 ss:$0x81] =	vst.msk $0xffff, v5  }
0xcb: {  	v0 =	vld [tilespmem:s14+$0x70];
	[tilespmem:s18+$0x0 ss:$0x81] =	vst.msk $0xffff, v6  }
0xcc: {  	p2 =	sgt.s32 s0, $0x100;
	v1 =	vld [tilespmem:s14+$0x50];
	[tilespmem:s17+$0x0 ss:$0x81] =	vst.msk $0xffff, v7  }
.Ltmp12:
0xcd: {  	[tilespmem:s17+$0x0 ss:$0x81] =	vst.msk $0xffff, v7;
	(pc) =	sbr.rel @!p2 .LBB1_11-.Ltmp12, $4  }
0xce: {  	s12 =	sadd.s32 s11, s1;
	s1 =	sadd.s32 s20, s1;
	[tilespmem:s18+$0x0 ss:$0x81] =	vst.msk $0xffff, v6  }
0xcf: {  	s1 =	sadd.s32 s4, s1;
	[tilespmem:s13+$0x0 ss:$0x81] =	vst.msk $0xffff, v5  }
0xd0: {  	s12 =	sadd.s32 s4, s12;
	[tilespmem:s1+$0x0 ss:$0x81] =	vst.msk $0xffff, v0  }
0xd1: {  	s29 =	simm.s32 $0x100;
	[tilespmem:s12+$0x0 ss:$0x81] =	vst.msk $0xffff, v1  }
.LBB1_10:
0xd2: {  	v5 =	vld [tilespmem:s14+$0x70];
	[tilespmem:s10+$0x0 ss:$0x81] =	vst.msk $0xffff, v4  }
0xd3: {  	v6 =	vld [tilespmem:s14+$0x60];
	[tilespmem:s16+$0x0 ss:$0x81] =	vst.msk $0xffff, v2  }
0xd4: {  	[tilespmem:s12+$0x0 ss:$0x81] =	vst.msk $0xffff, v1;
	v1 =	vld [tilespmem:s14+$0x50]  }
0xd5: {  	v2 =	vld [tilespmem:s14+$0x40];
	[tilespmem:s28+$0x0 ss:$0x81] =	vst.msk $0xffff, v3  }
0xd6: {  	v4 =	vld [tilespmem:s14+$0x30];
	[tilespmem:s1+$0x0 ss:$0x81] =	vst.msk $0xffff, v0  }
0xd7: {  	v7 =	vld [tilespmem:s14+$0x20];
	[tilespmem:s1+$0x0 ss:$0x81] =	vst.msk $0xffff, v5;
	v0 =	vmov v5  }
0xd8: {  	v5 =	vld [tilespmem:s14+$0x10];
	[tilespmem:s28+$0x0 ss:$0x81] =	vst.msk $0xffff, v6;
	v3 =	vmov v6  }
0xd9: {  	s29 =	sadd.s32 $0x100, s29;
	v6 =	vld [tilespmem:s14+$0x0];
	[tilespmem:s12+$0x0 ss:$0x81] =	vst.msk $0xffff, v1  }
0xda: {  	p2 =	slt.s32 s29, s0;
	[tilespmem:s16+$0x0 ss:$0x81] =	vst.msk $0xffff, v2  }
0xdb: {  	[tilespmem:s10+$0x0 ss:$0x81] =	vst.msk $0xffff, v4  }
0xdc: {  	[tilespmem:s13+$0x0 ss:$0x81] =	vst.msk $0xffff, v7  }
.Ltmp13:
0xdd: {  	[tilespmem:s18+$0x0 ss:$0x81] =	vst.msk $0xffff, v5;
	(pc) =	sbr.rel @p2 .LBB1_10-.Ltmp13, $4  }
0xde: {  	[tilespmem:s17+$0x0 ss:$0x81] =	vst.msk $0xffff, v6  }
0xdf: {  	[tilespmem:s17+$0x0 ss:$0x81] =	vst.msk $0xffff, v6  }
0xe0: {  	[tilespmem:s18+$0x0 ss:$0x81] =	vst.msk $0xffff, v5  }
0xe1: {  	[tilespmem:s13+$0x0 ss:$0x81] =	vst.msk $0xffff, v7  }
.LBB1_11:
0xe2: {  	[tilespmem:s10+$0x0 ss:$0x81] =	vst.msk $0xffff, v4  }
0xe3: {  	[tilespmem:s16+$0x0 ss:$0x81] =	vst.msk $0xffff, v2  }
0xe4: {  	[tilespmem:s12+$0x0 ss:$0x81] =	vst.msk $0xffff, v1  }
0xe5: {  	[tilespmem:s28+$0x0 ss:$0x81] =	vst.msk $0xffff, v3  }
0xe6: {  	[tilespmem:s1+$0x0 ss:$0x81] =	vst.msk $0xffff, v0  }
.LBB1_12:
.Ltmp14:
0xe7: {  	(pc) =	sbr.rel @p1 .LBB1_15-.Ltmp14, $1  }
0xe8: {  	_ =	sdelay $0x3  }
0xe9: {  	s10 =	sand.u32 $0x380, s21  }
0xea: {  	s1 =	smul.u32 $0x10200, s22;
	s10 =	sadd.s32 s10, s6  }
0xeb: {  	v0 =	vmov s10  }
0xec: {  	s1 =	sshra.s32 s1, $0x2  }
0xed: {  	s10 =	smov.u32 s0;
	s1 =	sadd.s32 s1, s7  }
.LBB1_14:
0xee: {  	s13 =	sadd.s32 s10, s5  }
0xef: {  	s12 =	sand.u32 $0x70, s10;
	s10 =	sadd.s32 $0x10, s10;
	s29 =	sand.u32 $0x78, s13  }
0xf0: {  	v1 =	vld.idx.msk [tilespmem:v0+s12+$0x0 ss:$0x1], $0xffff;
	p2 =	slt.s32 s10, s31;
	s12 =	smul.u32 $0x204, s29  }
.Ltmp15:
0xf1: {  	_ = 	snop;
	(pc) =	sbr.rel @p2 .LBB1_14-.Ltmp15, $4  }
0xf2: {  	_ = 	snop  }
0xf3: {  	s12 =	sshrl.u32 s12, $0x2  }
0xf4: {  	s12 =	sadd.s32 s12, s1  }
0xf5: {  	[tilespmem:s12+$0x0 ss:$0x81] =	vst.msk $0xffff, v1  }
.Ltmp16:
0xf6: {  	_ = 	snop;
	(pc) =	sbr.rel .LBB1_15-.Ltmp16, $1  }
0xf7: {  	_ =	sdelay $0x3  }
.LBB1_20:
0xf8: {  	_ =	sfence.sel $0x180000  }
0xf9: {  	s0 =	simm.s32 $0x1;
	[bflag:$0x0] =	sbarrier.arrive $0xFFFF  }
0xfa: {  	s30 =	simm.s32 $0x2;
	[sflag:s0] =	ssyncpa.u1 $0x1  }
0xfb: {  	[sflag:s30] =	ssyncpa.u1 $0x1  }
0xfc: {  	_ =	strace $0x9000004A  }
0xfd: {  	s31 =	stileid.u32;
	[bflag:$0x2] =	sbarrier.arrive $0xFFFF  }
0xfe: {  	p0 =	sne.s32 s31, $0x0;
	s0 =	rddreg [dreg:$0x2]  }
0xff: {  	s0 =	sadd.s32 @!p0 $0x100000, s0  }
0x100: {  	[sflag:s0] =	ssyncadd.tile.s32 @!p0 $0x1;
	_ =	shalt  }
.Lfunc_end1:
_tile_overlayer_lowered:
.L_overlay_start_2:
0x101: {  	(tag) =	ssettag $0x2  }
0x102: {  	s0 =	rddreg [dreg:$0x0];
	s2 =	stileid.u32  }
0x103: {  	s1 =	rddreg [dreg:$0x1];
	p0 =	sne.s32 s2, $0x0  }
0x104: {  	s3 =	rddreg [dreg:$0x2];
	[bflag:$0x3] =	sbarrier.arrive $0xFFFF;
	s2 =	simm.s32 @!p0 $0x1C01  }
0x105: {  	[timem:s3], [sflag:s2] =	dma.local @!p0 [hbm:s0], s1  }
0x106: {  	s0 =	simm.s32 @!p0 $0x1  }
0x107: {  	_ =	swait.ge @!p0 [sflag:s0], s1  }
0x108: {  	s1 =	ssub.s32 @!p0 $0x0, s1;
	[sflag:s0] =	ssyncset.done @!p0 $0x0  }
0x109: {  	[sflag:s0] =	ssyncadd.s32 @!p0 s1  }
0x10a: {  	[bflag:$0x3] =	sbarrier.arrive $0xFFFF  }
0x10b: {  	_ =	shalt  }

</sc_bundles>
